<compile_context>
chip_gen: v7x
topology: tpu7x:2x2x1
jax: 0.10.2.dev20260603
libtpu: 0.0.44.dev20260713+nightly
codegen_flags: <defaults>
</compile_context>

<pallas_src>
import functools

import jax
import jax.numpy as jnp
from jax import lax
from jax.experimental import pallas as pl
from jax.experimental.pallas import tpu as pltpu
from jax.experimental.pallas import tpu_sc as plsc

NC = 2
NS = 16
NW = NC * NS

NBUF = 5
LOOK = 3


def _gather_kernel(n_total, v_rows, d, chunk):
    per_w = n_total // NW
    n_chunks = per_w // chunk
    assert n_chunks == 50, "schedule below is specialized to 50 chunks/worker"
    mesh = plsc.VectorSubcoreMesh(core_axis_name="c", subcore_axis_name="s")

    @functools.partial(
        pl.kernel,
        mesh=mesh,
        out_type=jax.ShapeDtypeStruct((n_total, d), jnp.float32),
        scratch_types=[
            pltpu.VMEM((per_w,), jnp.int32),
            pltpu.VMEM((NBUF, chunk, d), jnp.float32),
            pltpu.VMEM_SHARED((v_rows, d), jnp.float32),
            [pltpu.SemaphoreType.DMA] * NBUF,
            [pltpu.SemaphoreType.DMA] * NBUF,
        ],
    )
    def k(idx_hbm, table_hbm, out_hbm, idx_v, rows_v, spm_table, gsem, ssem):
        wid = lax.axis_index("s") * NC + lax.axis_index("c")
        base = wid * per_w
        @pl.when(lax.axis_index("s") == 0)
        def _stage():
            pltpu.sync_copy(table_hbm, spm_table)

        pltpu.sync_copy(idx_hbm.at[pl.ds(base, per_w)], idx_v)
        plsc.subcore_barrier()

        def g_desc(j, b):
            return pltpu.make_async_copy(
                spm_table.at[idx_v.at[pl.ds(j * chunk, chunk)]],
                rows_v.at[b], gsem[b])

        def s_desc(j, b):
            return pltpu.make_async_copy(
                rows_v.at[b], out_hbm.at[pl.ds(base + j * chunk, chunk)],
                ssem[b])

        for j in range(LOOK):
            g_desc(j, j % NBUF).start()

        def step(j, u):
            g_desc(j, u).wait()
            s_desc(j, u).start()

        def advance(j, u):
            fb = (u + LOOK) % NBUF
            s_desc(j + LOOK - NBUF, fb).wait()
            g_desc(j + LOOK, fb).start()

        for u in range(NBUF):
            step(u, u)
            if u + LOOK < NBUF:
                g_desc(u + LOOK, u + LOOK).start()
            else:
                advance(u, u)

        def body(r, carry):
            j0 = NBUF * r
            for u in range(NBUF):
                step(j0 + u, u)
                advance(j0 + u, u)
            return carry

        lax.fori_loop(1, (n_chunks // NBUF) - 1, body, 0)

        j0 = n_chunks - NBUF
        for u in range(NBUF):
            step(j0 + u, u)
            if j0 + u + LOOK < n_chunks:
                advance(j0 + u, u)

        for u in range(NBUF):
            s_desc(j0 + u, u).wait()

    return k


def kernel(channel_ids, embedding_table):
    b, l = channel_ids.shape
    v, d = embedding_table.shape
    n_total = b * l
    idx_flat = channel_ids.reshape(n_total)
    out = _gather_kernel(n_total, v, d, 128)(idx_flat, embedding_table)
    return out.reshape(b, l, d)

# --- scband reference (transcript-rebuilt; emitter-appended) ---
"""Pipeline reference for scband-channel-embedding-78022375899711 (READ-ONLY COPY).

The authoritative reference and input builder live on the scoring server;
editing this copy changes nothing except your own understanding.
"""

import jax, jax.numpy as jnp
import numpy as np


def setup_inputs(seed: int = 0) -> dict:
    key = jax.random.key(seed)
    k_idx, k_tbl = jax.random.split(key)
    num_embeddings = 1000
    embedding_dim = 128
    channel_ids = jax.random.randint(k_idx, (4096, 50), 0, num_embeddings, dtype=jnp.int32)
    # Learned embedding table (nn.Embedding weight), N(0,1) init like torch default
    embedding_table = jax.random.normal(k_tbl, (num_embeddings, embedding_dim), dtype=jnp.float32)
    return {"channel_ids": channel_ids, "embedding_table": embedding_table}


def reference(channel_ids, embedding_table):
    # ChannelEmbedding.forward: embedding lookup of per-channel learned vectors
    # torch: self.embedding(channel_ids) -> [B, L, D]
    out = jnp.take(embedding_table, channel_ids, axis=0)
    return out

if __name__ == "__main__":
    import jax
    _d = setup_inputs()
    print(jax.jit(kernel)(*tuple(_d.values())))

</pallas_src>

<mosaic_0001>
#map = affine_map<(d0, d1) -> (0)>
#map1 = affine_map<(d0, d1) -> (0, 0)>
module attributes {stable_mosaic.version = 14 : i64} {
  func.func @k(%arg0: i32, %arg1: i32, %arg2: memref<204800xi32, #tpu.memory_space<hbm>>, %arg3: memref<1000x128xf32, #tpu.memory_space<hbm>>, %arg4: memref<204800x128xf32, #tpu.memory_space<hbm>>, %arg5: memref<6400xi32, #tpu.memory_space<vmem>>, %arg6: memref<5x128x128xf32, #tpu.memory_space<vmem>>, %arg7: memref<1000x128xf32, #tpu.memory_space<vmem_shared>>, %arg8: memref<!tpu.dma_semaphore, #tpu.memory_space<semaphore_mem>>, %arg9: memref<!tpu.dma_semaphore, #tpu.memory_space<semaphore_mem>>, %arg10: memref<!tpu.dma_semaphore, #tpu.memory_space<semaphore_mem>>, %arg11: memref<!tpu.dma_semaphore, #tpu.memory_space<semaphore_mem>>, %arg12: memref<!tpu.dma_semaphore, #tpu.memory_space<semaphore_mem>>, %arg13: memref<!tpu.dma_semaphore, #tpu.memory_space<semaphore_mem>>, %arg14: memref<!tpu.dma_semaphore, #tpu.memory_space<semaphore_mem>>, %arg15: memref<!tpu.dma_semaphore, #tpu.memory_space<semaphore_mem>>, %arg16: memref<!tpu.dma_semaphore, #tpu.memory_space<semaphore_mem>>, %arg17: memref<!tpu.dma_semaphore, #tpu.memory_space<semaphore_mem>>) attributes {dimension_semantics = [#tpu.dimension_semantics<core_parallel>, #tpu.dimension_semantics<subcore_parallel>], iteration_bounds = array<i64: 2, 16>, scalar_prefetch = 0 : i64, scratch_operands = 13 : i64, tpu.core_type = #tpu.core_type<sc_vector_subcore>, window_params = [{transform_indices = #map}, {transform_indices = #map1}, {transform_indices = #map1}]} {
    %mul3A = arith.constant 2 : i32
    %mul3A_0 = arith.muli %arg1, %mul3A : i32
    %add3A = arith.addi %mul3A_0, %arg0 : i32
    %mul3A_1 = arith.constant 6400 : i32
    %mul3A_2 = arith.muli %add3A, %mul3A_1 : i32
    %eq3A = arith.constant 0 : i32
    %eq3A_3 = arith.cmpi eq, %arg1, %eq3A : i32
    %convert_element_type3A = arith.extui %eq3A_3 : i1 to i32
    %cond3A = arith.constant 0 : i32
    %cond3A_4 = arith.cmpi ne, %convert_element_type3A, %cond3A : i32
    scf.if %cond3A_4 {
      "tpu.region"() ({
        %run_scoped3A = tpu.sem_alloc : memref<!tpu.dma_semaphore, #tpu.memory_space<semaphore_mem>>
        tpu.enqueue_dma source(%arg3 : memref<1000x128xf32, #tpu.memory_space<hbm>>) target(%arg7 : memref<1000x128xf32, #tpu.memory_space<vmem_shared>>) target_semaphore(%run_scoped3A : memref<!tpu.dma_semaphore, #tpu.memory_space<semaphore_mem>>)
        tpu.wait_dma2 semaphore(%run_scoped3A : memref<!tpu.dma_semaphore, #tpu.memory_space<semaphore_mem>>) src(%arg3 : memref<1000x128xf32, #tpu.memory_space<hbm>>) dst(%arg7 : memref<1000x128xf32, #tpu.memory_space<vmem_shared>>)
        tpu.yield
      }) : () -> ()
    } else {
    }
    "tpu.region"() ({
      %run_scoped3A = tpu.sem_alloc : memref<!tpu.dma_semaphore, #tpu.memory_space<semaphore_mem>>
      %dma_start3A_508 = tpu.memref_slice %arg2[%mul3A_2] : memref<204800xi32, #tpu.memory_space<hbm>> -> memref<6400xi32, #tpu.memory_space<hbm>>
      %dma_start3A_509 = tpu.memref_slice %arg2[%mul3A_2] : memref<204800xi32, #tpu.memory_space<hbm>> -> memref<6400xi32, #tpu.memory_space<hbm>>
      tpu.enqueue_dma source(%dma_start3A_509 : memref<6400xi32, #tpu.memory_space<hbm>>) target(%arg5 : memref<6400xi32, #tpu.memory_space<vmem>>) target_semaphore(%run_scoped3A : memref<!tpu.dma_semaphore, #tpu.memory_space<semaphore_mem>>)
      %dma_wait3A_510 = tpu.memref_slice %arg2[%mul3A_2] : memref<204800xi32, #tpu.memory_space<hbm>> -> memref<6400xi32, #tpu.memory_space<hbm>>
      %dma_wait3A_511 = tpu.memref_slice %arg2[%mul3A_2] : memref<204800xi32, #tpu.memory_space<hbm>> -> memref<6400xi32, #tpu.memory_space<hbm>>
      tpu.wait_dma2 semaphore(%run_scoped3A : memref<!tpu.dma_semaphore, #tpu.memory_space<semaphore_mem>>) src(%dma_wait3A_511 : memref<6400xi32, #tpu.memory_space<hbm>>) dst(%arg5 : memref<6400xi32, #tpu.memory_space<vmem>>)
      tpu.yield
    }) : () -> ()
    %barrier3A = arith.constant 0 : index
    tpu.barrier barrier_id(%barrier3A)
    %dma_start3A = arith.constant 0 : i32
    %dma_start3A_5 = arith.constant 0 : i32
    %dma_start3A_6 = arith.constant 0 : i32
    %dma_start3A_7 = tpu.memref_slice %arg6[%dma_start3A, %dma_start3A_5, %dma_start3A_6] : memref<5x128x128xf32, #tpu.memory_space<vmem>> -> memref<1x128x128xf32, #tpu.memory_space<vmem>>
    %dma_start3A_8 = tpu.memref_squeeze %dma_start3A_7 : memref<1x128x128xf32, #tpu.memory_space<vmem>> -> memref<128x128xf32, #tpu.memory_space<vmem>>
    %dma_start3A_9 = arith.constant 0 : i32
    %dma_start3A_10 = tpu.memref_slice %arg5[%dma_start3A_9] : memref<6400xi32, #tpu.memory_space<vmem>> -> memref<128xi32, #tpu.memory_space<vmem>>
    %dma_start3A_11 = arith.constant 0 : i32
    %dma_start3A_12 = arith.constant 0 : i32
    %dma_start3A_13 = tpu.memref_slice %arg7[%dma_start3A_11, %dma_start3A_12] : memref<1000x128xf32, #tpu.memory_space<vmem_shared>> -> memref<1000x128xf32, #tpu.memory_space<vmem_shared>>
    tpu.enqueue_indirect_dma source(%dma_start3A_13 : memref<1000x128xf32, #tpu.memory_space<vmem_shared>>) target(%dma_start3A_8 : memref<128x128xf32, #tpu.memory_space<vmem>>) offsets(%dma_start3A_10 : memref<128xi32, #tpu.memory_space<vmem>>) semaphore(%arg8 : memref<!tpu.dma_semaphore, #tpu.memory_space<semaphore_mem>>)
    %dma_start3A_14 = arith.constant 1 : i32
    %dma_start3A_15 = arith.constant 0 : i32
    %dma_start3A_16 = arith.constant 0 : i32
    %dma_start3A_17 = tpu.memref_slice %arg6[%dma_start3A_14, %dma_start3A_15, %dma_start3A_16] : memref<5x128x128xf32, #tpu.memory_space<vmem>> -> memref<1x128x128xf32, #tpu.memory_space<vmem>>
    %dma_start3A_18 = tpu.memref_squeeze %dma_start3A_17 : memref<1x128x128xf32, #tpu.memory_space<vmem>> -> memref<128x128xf32, #tpu.memory_space<vmem>>
    %dma_start3A_19 = arith.constant 128 : i32
    %dma_start3A_20 = tpu.memref_slice %arg5[%dma_start3A_19] : memref<6400xi32, #tpu.memory_space<vmem>> -> memref<128xi32, #tpu.memory_space<vmem>>
    %dma_start3A_21 = arith.constant 0 : i32
    %dma_start3A_22 = arith.constant 0 : i32
    %dma_start3A_23 = tpu.memref_slice %arg7[%dma_start3A_21, %dma_start3A_22] : memref<1000x128xf32, #tpu.memory_space<vmem_shared>> -> memref<1000x128xf32, #tpu.memory_space<vmem_shared>>
    tpu.enqueue_indirect_dma source(%dma_start3A_23 : memref<1000x128xf32, #tpu.memory_space<vmem_shared>>) target(%dma_start3A_18 : memref<128x128xf32, #tpu.memory_space<vmem>>) offsets(%dma_start3A_20 : memref<128xi32, #tpu.memory_space<vmem>>) semaphore(%arg9 : memref<!tpu.dma_semaphore, #tpu.memory_space<semaphore_mem>>)
    %dma_start3A_24 = arith.constant 2 : i32
    %dma_start3A_25 = arith.constant 0 : i32
    %dma_start3A_26 = arith.constant 0 : i32
    %dma_start3A_27 = tpu.memref_slice %arg6[%dma_start3A_24, %dma_start3A_25, %dma_start3A_26] : memref<5x128x128xf32, #tpu.memory_space<vmem>> -> memref<1x128x128xf32, #tpu.memory_space<vmem>>
    %dma_start3A_28 = tpu.memref_squeeze %dma_start3A_27 : memref<1x128x128xf32, #tpu.memory_space<vmem>> -> memref<128x128xf32, #tpu.memory_space<vmem>>
    %dma_start3A_29 = arith.constant 256 : i32
    %dma_start3A_30 = tpu.memref_slice %arg5[%dma_start3A_29] : memref<6400xi32, #tpu.memory_space<vmem>> -> memref<128xi32, #tpu.memory_space<vmem>>
    %dma_start3A_31 = arith.constant 0 : i32
    %dma_start3A_32 = arith.constant 0 : i32
    %dma_start3A_33 = tpu.memref_slice %arg7[%dma_start3A_31, %dma_start3A_32] : memref<1000x128xf32, #tpu.memory_space<vmem_shared>> -> memref<1000x128xf32, #tpu.memory_space<vmem_shared>>
    tpu.enqueue_indirect_dma source(%dma_start3A_33 : memref<1000x128xf32, #tpu.memory_space<vmem_shared>>) target(%dma_start3A_28 : memref<128x128xf32, #tpu.memory_space<vmem>>) offsets(%dma_start3A_30 : memref<128xi32, #tpu.memory_space<vmem>>) semaphore(%arg10 : memref<!tpu.dma_semaphore, #tpu.memory_space<semaphore_mem>>)
    %dma_wait3A = arith.constant 0 : i32
    %dma_wait3A_34 = arith.constant 0 : i32
    %dma_wait3A_35 = arith.constant 0 : i32
    %dma_wait3A_36 = tpu.memref_slice %arg6[%dma_wait3A, %dma_wait3A_34, %dma_wait3A_35] : memref<5x128x128xf32, #tpu.memory_space<vmem>> -> memref<1x128x128xf32, #tpu.memory_space<vmem>>
    %dma_wait3A_37 = tpu.memref_squeeze %dma_wait3A_36 : memref<1x128x128xf32, #tpu.memory_space<vmem>> -> memref<128x128xf32, #tpu.memory_space<vmem>>
    %dma_wait3A_38 = arith.constant 0 : i32
    %dma_wait3A_39 = tpu.memref_slice %arg5[%dma_wait3A_38] : memref<6400xi32, #tpu.memory_space<vmem>> -> memref<128xi32, #tpu.memory_space<vmem>>
    %dma_wait3A_40 = arith.constant 0 : i32
    %dma_wait3A_41 = arith.constant 0 : i32
    %dma_wait3A_42 = tpu.memref_slice %arg7[%dma_wait3A_40, %dma_wait3A_41] : memref<1000x128xf32, #tpu.memory_space<vmem_shared>> -> memref<1000x128xf32, #tpu.memory_space<vmem_shared>>
    tpu.wait_indirect_dma semaphore(%arg8 : memref<!tpu.dma_semaphore, #tpu.memory_space<semaphore_mem>>) src(%dma_wait3A_42 : memref<1000x128xf32, #tpu.memory_space<vmem_shared>>) dst(%dma_wait3A_37 : memref<128x128xf32, #tpu.memory_space<vmem>>)
    %add3A_43 = arith.constant 0 : i32
    %add3A_44 = arith.addi %mul3A_2, %add3A_43 : i32
    %dma_start3A_45 = arith.constant 0 : i32
    %dma_start3A_46 = arith.constant 0 : i32
    %dma_start3A_47 = arith.constant 0 : i32
    %dma_start3A_48 = tpu.memref_slice %arg6[%dma_start3A_45, %dma_start3A_46, %dma_start3A_47] : memref<5x128x128xf32, #tpu.memory_space<vmem>> -> memref<1x128x128xf32, #tpu.memory_space<vmem>>
    %dma_start3A_49 = tpu.memref_squeeze %dma_start3A_48 : memref<1x128x128xf32, #tpu.memory_space<vmem>> -> memref<128x128xf32, #tpu.memory_space<vmem>>
    %dma_start3A_50 = arith.constant 0 : i32
    %dma_start3A_51 = tpu.memref_slice %arg4[%add3A_44, %dma_start3A_50] : memref<204800x128xf32, #tpu.memory_space<hbm>> -> memref<128x128xf32, #tpu.memory_space<hbm>>
    %dma_start3A_52 = arith.constant 0 : i32
    %dma_start3A_53 = tpu.memref_slice %arg4[%add3A_44, %dma_start3A_52] : memref<204800x128xf32, #tpu.memory_space<hbm>> -> memref<128x128xf32, #tpu.memory_space<hbm>>
    %dma_start3A_54 = arith.constant 0 : i32
    %dma_start3A_55 = arith.constant 0 : i32
    %dma_start3A_56 = tpu.memref_slice %arg6[%dma_start3A_45, %dma_start3A_54, %dma_start3A_55] : memref<5x128x128xf32, #tpu.memory_space<vmem>> -> memref<1x128x128xf32, #tpu.memory_space<vmem>>
    %dma_start3A_57 = tpu.memref_squeeze %dma_start3A_56 : memref<1x128x128xf32, #tpu.memory_space<vmem>> -> memref<128x128xf32, #tpu.memory_space<vmem>>
    tpu.enqueue_dma source(%dma_start3A_57 : memref<128x128xf32, #tpu.memory_space<vmem>>) target(%dma_start3A_53 : memref<128x128xf32, #tpu.memory_space<hbm>>) target_semaphore(%arg13 : memref<!tpu.dma_semaphore, #tpu.memory_space<semaphore_mem>>)
    %dma_start3A_58 = arith.constant 3 : i32
    %dma_start3A_59 = arith.constant 0 : i32
    %dma_start3A_60 = arith.constant 0 : i32
    %dma_start3A_61 = tpu.memref_slice %arg6[%dma_start3A_58, %dma_start3A_59, %dma_start3A_60] : memref<5x128x128xf32, #tpu.memory_space<vmem>> -> memref<1x128x128xf32, #tpu.memory_space<vmem>>
    %dma_start3A_62 = tpu.memref_squeeze %dma_start3A_61 : memref<1x128x128xf32, #tpu.memory_space<vmem>> -> memref<128x128xf32, #tpu.memory_space<vmem>>
    %dma_start3A_63 = arith.constant 384 : i32
    %dma_start3A_64 = tpu.memref_slice %arg5[%dma_start3A_63] : memref<6400xi32, #tpu.memory_space<vmem>> -> memref<128xi32, #tpu.memory_space<vmem>>
    %dma_start3A_65 = arith.constant 0 : i32
    %dma_start3A_66 = arith.constant 0 : i32
    %dma_start3A_67 = tpu.memref_slice %arg7[%dma_start3A_65, %dma_start3A_66] : memref<1000x128xf32, #tpu.memory_space<vmem_shared>> -> memref<1000x128xf32, #tpu.memory_space<vmem_shared>>
    tpu.enqueue_indirect_dma source(%dma_start3A_67 : memref<1000x128xf32, #tpu.memory_space<vmem_shared>>) target(%dma_start3A_62 : memref<128x128xf32, #tpu.memory_space<vmem>>) offsets(%dma_start3A_64 : memref<128xi32, #tpu.memory_space<vmem>>) semaphore(%arg11 : memref<!tpu.dma_semaphore, #tpu.memory_space<semaphore_mem>>)
    %dma_wait3A_68 = arith.constant 1 : i32
    %dma_wait3A_69 = arith.constant 0 : i32
    %dma_wait3A_70 = arith.constant 0 : i32
    %dma_wait3A_71 = tpu.memref_slice %arg6[%dma_wait3A_68, %dma_wait3A_69, %dma_wait3A_70] : memref<5x128x128xf32, #tpu.memory_space<vmem>> -> memref<1x128x128xf32, #tpu.memory_space<vmem>>
    %dma_wait3A_72 = tpu.memref_squeeze %dma_wait3A_71 : memref<1x128x128xf32, #tpu.memory_space<vmem>> -> memref<128x128xf32, #tpu.memory_space<vmem>>
    %dma_wait3A_73 = arith.constant 128 : i32
    %dma_wait3A_74 = tpu.memref_slice %arg5[%dma_wait3A_73] : memref<6400xi32, #tpu.memory_space<vmem>> -> memref<128xi32, #tpu.memory_space<vmem>>
    %dma_wait3A_75 = arith.constant 0 : i32
    %dma_wait3A_76 = arith.constant 0 : i32
    %dma_wait3A_77 = tpu.memref_slice %arg7[%dma_wait3A_75, %dma_wait3A_76] : memref<1000x128xf32, #tpu.memory_space<vmem_shared>> -> memref<1000x128xf32, #tpu.memory_space<vmem_shared>>
    tpu.wait_indirect_dma semaphore(%arg9 : memref<!tpu.dma_semaphore, #tpu.memory_space<semaphore_mem>>) src(%dma_wait3A_77 : memref<1000x128xf32, #tpu.memory_space<vmem_shared>>) dst(%dma_wait3A_72 : memref<128x128xf32, #tpu.memory_space<vmem>>)
    %add3A_78 = arith.constant 128 : i32
    %add3A_79 = arith.addi %mul3A_2, %add3A_78 : i32
    %dma_start3A_80 = arith.constant 1 : i32
    %dma_start3A_81 = arith.constant 0 : i32
    %dma_start3A_82 = arith.constant 0 : i32
    %dma_start3A_83 = tpu.memref_slice %arg6[%dma_start3A_80, %dma_start3A_81, %dma_start3A_82] : memref<5x128x128xf32, #tpu.memory_space<vmem>> -> memref<1x128x128xf32, #tpu.memory_space<vmem>>
    %dma_start3A_84 = tpu.memref_squeeze %dma_start3A_83 : memref<1x128x128xf32, #tpu.memory_space<vmem>> -> memref<128x128xf32, #tpu.memory_space<vmem>>
    %dma_start3A_85 = arith.constant 0 : i32
    %dma_start3A_86 = tpu.memref_slice %arg4[%add3A_79, %dma_start3A_85] : memref<204800x128xf32, #tpu.memory_space<hbm>> -> memref<128x128xf32, #tpu.memory_space<hbm>>
    %dma_start3A_87 = arith.constant 0 : i32
    %dma_start3A_88 = tpu.memref_slice %arg4[%add3A_79, %dma_start3A_87] : memref<204800x128xf32, #tpu.memory_space<hbm>> -> memref<128x128xf32, #tpu.memory_space<hbm>>
    %dma_start3A_89 = arith.constant 0 : i32
    %dma_start3A_90 = arith.constant 0 : i32
    %dma_start3A_91 = tpu.memref_slice %arg6[%dma_start3A_80, %dma_start3A_89, %dma_start3A_90] : memref<5x128x128xf32, #tpu.memory_space<vmem>> -> memref<1x128x128xf32, #tpu.memory_space<vmem>>
    %dma_start3A_92 = tpu.memref_squeeze %dma_start3A_91 : memref<1x128x128xf32, #tpu.memory_space<vmem>> -> memref<128x128xf32, #tpu.memory_space<vmem>>
    tpu.enqueue_dma source(%dma_start3A_92 : memref<128x128xf32, #tpu.memory_space<vmem>>) target(%dma_start3A_88 : memref<128x128xf32, #tpu.memory_space<hbm>>) target_semaphore(%arg14 : memref<!tpu.dma_semaphore, #tpu.memory_space<semaphore_mem>>)
    %dma_start3A_93 = arith.constant 4 : i32
    %dma_start3A_94 = arith.constant 0 : i32
    %dma_start3A_95 = arith.constant 0 : i32
    %dma_start3A_96 = tpu.memref_slice %arg6[%dma_start3A_93, %dma_start3A_94, %dma_start3A_95] : memref<5x128x128xf32, #tpu.memory_space<vmem>> -> memref<1x128x128xf32, #tpu.memory_space<vmem>>
    %dma_start3A_97 = tpu.memref_squeeze %dma_start3A_96 : memref<1x128x128xf32, #tpu.memory_space<vmem>> -> memref<128x128xf32, #tpu.memory_space<vmem>>
    %dma_start3A_98 = arith.constant 512 : i32
    %dma_start3A_99 = tpu.memref_slice %arg5[%dma_start3A_98] : memref<6400xi32, #tpu.memory_space<vmem>> -> memref<128xi32, #tpu.memory_space<vmem>>
    %dma_start3A_100 = arith.constant 0 : i32
    %dma_start3A_101 = arith.constant 0 : i32
    %dma_start3A_102 = tpu.memref_slice %arg7[%dma_start3A_100, %dma_start3A_101] : memref<1000x128xf32, #tpu.memory_space<vmem_shared>> -> memref<1000x128xf32, #tpu.memory_space<vmem_shared>>
    tpu.enqueue_indirect_dma source(%dma_start3A_102 : memref<1000x128xf32, #tpu.memory_space<vmem_shared>>) target(%dma_start3A_97 : memref<128x128xf32, #tpu.memory_space<vmem>>) offsets(%dma_start3A_99 : memref<128xi32, #tpu.memory_space<vmem>>) semaphore(%arg12 : memref<!tpu.dma_semaphore, #tpu.memory_space<semaphore_mem>>)
    %dma_wait3A_103 = arith.constant 2 : i32
    %dma_wait3A_104 = arith.constant 0 : i32
    %dma_wait3A_105 = arith.constant 0 : i32
    %dma_wait3A_106 = tpu.memref_slice %arg6[%dma_wait3A_103, %dma_wait3A_104, %dma_wait3A_105] : memref<5x128x128xf32, #tpu.memory_space<vmem>> -> memref<1x128x128xf32, #tpu.memory_space<vmem>>
    %dma_wait3A_107 = tpu.memref_squeeze %dma_wait3A_106 : memref<1x128x128xf32, #tpu.memory_space<vmem>> -> memref<128x128xf32, #tpu.memory_space<vmem>>
    %dma_wait3A_108 = arith.constant 256 : i32
    %dma_wait3A_109 = tpu.memref_slice %arg5[%dma_wait3A_108] : memref<6400xi32, #tpu.memory_space<vmem>> -> memref<128xi32, #tpu.memory_space<vmem>>
    %dma_wait3A_110 = arith.constant 0 : i32
    %dma_wait3A_111 = arith.constant 0 : i32
    %dma_wait3A_112 = tpu.memref_slice %arg7[%dma_wait3A_110, %dma_wait3A_111] : memref<1000x128xf32, #tpu.memory_space<vmem_shared>> -> memref<1000x128xf32, #tpu.memory_space<vmem_shared>>
    tpu.wait_indirect_dma semaphore(%arg10 : memref<!tpu.dma_semaphore, #tpu.memory_space<semaphore_mem>>) src(%dma_wait3A_112 : memref<1000x128xf32, #tpu.memory_space<vmem_shared>>) dst(%dma_wait3A_107 : memref<128x128xf32, #tpu.memory_space<vmem>>)
    %add3A_113 = arith.constant 256 : i32
    %add3A_114 = arith.addi %mul3A_2, %add3A_113 : i32
    %dma_start3A_115 = arith.constant 2 : i32
    %dma_start3A_116 = arith.constant 0 : i32
    %dma_start3A_117 = arith.constant 0 : i32
    %dma_start3A_118 = tpu.memref_slice %arg6[%dma_start3A_115, %dma_start3A_116, %dma_start3A_117] : memref<5x128x128xf32, #tpu.memory_space<vmem>> -> memref<1x128x128xf32, #tpu.memory_space<vmem>>
    %dma_start3A_119 = tpu.memref_squeeze %dma_start3A_118 : memref<1x128x128xf32, #tpu.memory_space<vmem>> -> memref<128x128xf32, #tpu.memory_space<vmem>>
    %dma_start3A_120 = arith.constant 0 : i32
    %dma_start3A_121 = tpu.memref_slice %arg4[%add3A_114, %dma_start3A_120] : memref<204800x128xf32, #tpu.memory_space<hbm>> -> memref<128x128xf32, #tpu.memory_space<hbm>>
    %dma_start3A_122 = arith.constant 0 : i32
    %dma_start3A_123 = tpu.memref_slice %arg4[%add3A_114, %dma_start3A_122] : memref<204800x128xf32, #tpu.memory_space<hbm>> -> memref<128x128xf32, #tpu.memory_space<hbm>>
    %dma_start3A_124 = arith.constant 0 : i32
    %dma_start3A_125 = arith.constant 0 : i32
    %dma_start3A_126 = tpu.memref_slice %arg6[%dma_start3A_115, %dma_start3A_124, %dma_start3A_125] : memref<5x128x128xf32, #tpu.memory_space<vmem>> -> memref<1x128x128xf32, #tpu.memory_space<vmem>>
    %dma_start3A_127 = tpu.memref_squeeze %dma_start3A_126 : memref<1x128x128xf32, #tpu.memory_space<vmem>> -> memref<128x128xf32, #tpu.memory_space<vmem>>
    tpu.enqueue_dma source(%dma_start3A_127 : memref<128x128xf32, #tpu.memory_space<vmem>>) target(%dma_start3A_123 : memref<128x128xf32, #tpu.memory_space<hbm>>) target_semaphore(%arg15 : memref<!tpu.dma_semaphore, #tpu.memory_space<semaphore_mem>>)
    %add3A_128 = arith.constant 0 : i32
    %add3A_129 = arith.addi %mul3A_2, %add3A_128 : i32
    %dma_wait3A_130 = arith.constant 0 : i32
    %dma_wait3A_131 = arith.constant 0 : i32
    %dma_wait3A_132 = arith.constant 0 : i32
    %dma_wait3A_133 = tpu.memref_slice %arg6[%dma_wait3A_130, %dma_wait3A_131, %dma_wait3A_132] : memref<5x128x128xf32, #tpu.memory_space<vmem>> -> memref<1x128x128xf32, #tpu.memory_space<vmem>>
    %dma_wait3A_134 = tpu.memref_squeeze %dma_wait3A_133 : memref<1x128x128xf32, #tpu.memory_space<vmem>> -> memref<128x128xf32, #tpu.memory_space<vmem>>
    %dma_wait3A_135 = arith.constant 0 : i32
    %dma_wait3A_136 = tpu.memref_slice %arg4[%add3A_129, %dma_wait3A_135] : memref<204800x128xf32, #tpu.memory_space<hbm>> -> memref<128x128xf32, #tpu.memory_space<hbm>>
    %dma_wait3A_137 = arith.constant 0 : i32
    %dma_wait3A_138 = tpu.memref_slice %arg4[%add3A_129, %dma_wait3A_137] : memref<204800x128xf32, #tpu.memory_space<hbm>> -> memref<128x128xf32, #tpu.memory_space<hbm>>
    %dma_wait3A_139 = arith.constant 0 : i32
    %dma_wait3A_140 = arith.constant 0 : i32
    %dma_wait3A_141 = tpu.memref_slice %arg6[%dma_wait3A_130, %dma_wait3A_139, %dma_wait3A_140] : memref<5x128x128xf32, #tpu.memory_space<vmem>> -> memref<1x128x128xf32, #tpu.memory_space<vmem>>
    %dma_wait3A_142 = tpu.memref_squeeze %dma_wait3A_141 : memref<1x128x128xf32, #tpu.memory_space<vmem>> -> memref<128x128xf32, #tpu.memory_space<vmem>>
    tpu.wait_dma2 semaphore(%arg13 : memref<!tpu.dma_semaphore, #tpu.memory_space<semaphore_mem>>) src(%dma_wait3A_142 : memref<128x128xf32, #tpu.memory_space<vmem>>) dst(%dma_wait3A_138 : memref<128x128xf32, #tpu.memory_space<hbm>>)
    %dma_start3A_143 = arith.constant 0 : i32
    %dma_start3A_144 = arith.constant 0 : i32
    %dma_start3A_145 = arith.constant 0 : i32
    %dma_start3A_146 = tpu.memref_slice %arg6[%dma_start3A_143, %dma_start3A_144, %dma_start3A_145] : memref<5x128x128xf32, #tpu.memory_space<vmem>> -> memref<1x128x128xf32, #tpu.memory_space<vmem>>
    %dma_start3A_147 = tpu.memref_squeeze %dma_start3A_146 : memref<1x128x128xf32, #tpu.memory_space<vmem>> -> memref<128x128xf32, #tpu.memory_space<vmem>>
    %dma_start3A_148 = arith.constant 640 : i32
    %dma_start3A_149 = tpu.memref_slice %arg5[%dma_start3A_148] : memref<6400xi32, #tpu.memory_space<vmem>> -> memref<128xi32, #tpu.memory_space<vmem>>
    %dma_start3A_150 = arith.constant 0 : i32
    %dma_start3A_151 = arith.constant 0 : i32
    %dma_start3A_152 = tpu.memref_slice %arg7[%dma_start3A_150, %dma_start3A_151] : memref<1000x128xf32, #tpu.memory_space<vmem_shared>> -> memref<1000x128xf32, #tpu.memory_space<vmem_shared>>
    tpu.enqueue_indirect_dma source(%dma_start3A_152 : memref<1000x128xf32, #tpu.memory_space<vmem_shared>>) target(%dma_start3A_147 : memref<128x128xf32, #tpu.memory_space<vmem>>) offsets(%dma_start3A_149 : memref<128xi32, #tpu.memory_space<vmem>>) semaphore(%arg8 : memref<!tpu.dma_semaphore, #tpu.memory_space<semaphore_mem>>)
    %dma_wait3A_153 = arith.constant 3 : i32
    %dma_wait3A_154 = arith.constant 0 : i32
    %dma_wait3A_155 = arith.constant 0 : i32
    %dma_wait3A_156 = tpu.memref_slice %arg6[%dma_wait3A_153, %dma_wait3A_154, %dma_wait3A_155] : memref<5x128x128xf32, #tpu.memory_space<vmem>> -> memref<1x128x128xf32, #tpu.memory_space<vmem>>
    %dma_wait3A_157 = tpu.memref_squeeze %dma_wait3A_156 : memref<1x128x128xf32, #tpu.memory_space<vmem>> -> memref<128x128xf32, #tpu.memory_space<vmem>>
    %dma_wait3A_158 = arith.constant 384 : i32
    %dma_wait3A_159 = tpu.memref_slice %arg5[%dma_wait3A_158] : memref<6400xi32, #tpu.memory_space<vmem>> -> memref<128xi32, #tpu.memory_space<vmem>>
    %dma_wait3A_160 = arith.constant 0 : i32
    %dma_wait3A_161 = arith.constant 0 : i32
    %dma_wait3A_162 = tpu.memref_slice %arg7[%dma_wait3A_160, %dma_wait3A_161] : memref<1000x128xf32, #tpu.memory_space<vmem_shared>> -> memref<1000x128xf32, #tpu.memory_space<vmem_shared>>
    tpu.wait_indirect_dma semaphore(%arg11 : memref<!tpu.dma_semaphore, #tpu.memory_space<semaphore_mem>>) src(%dma_wait3A_162 : memref<1000x128xf32, #tpu.memory_space<vmem_shared>>) dst(%dma_wait3A_157 : memref<128x128xf32, #tpu.memory_space<vmem>>)
    %add3A_163 = arith.constant 384 : i32
    %add3A_164 = arith.addi %mul3A_2, %add3A_163 : i32
    %dma_start3A_165 = arith.constant 3 : i32
    %dma_start3A_166 = arith.constant 0 : i32
    %dma_start3A_167 = arith.constant 0 : i32
    %dma_start3A_168 = tpu.memref_slice %arg6[%dma_start3A_165, %dma_start3A_166, %dma_start3A_167] : memref<5x128x128xf32, #tpu.memory_space<vmem>> -> memref<1x128x128xf32, #tpu.memory_space<vmem>>
    %dma_start3A_169 = tpu.memref_squeeze %dma_start3A_168 : memref<1x128x128xf32, #tpu.memory_space<vmem>> -> memref<128x128xf32, #tpu.memory_space<vmem>>
    %dma_start3A_170 = arith.constant 0 : i32
    %dma_start3A_171 = tpu.memref_slice %arg4[%add3A_164, %dma_start3A_170] : memref<204800x128xf32, #tpu.memory_space<hbm>> -> memref<128x128xf32, #tpu.memory_space<hbm>>
    %dma_start3A_172 = arith.constant 0 : i32
    %dma_start3A_173 = tpu.memref_slice %arg4[%add3A_164, %dma_start3A_172] : memref<204800x128xf32, #tpu.memory_space<hbm>> -> memref<128x128xf32, #tpu.memory_space<hbm>>
    %dma_start3A_174 = arith.constant 0 : i32
    %dma_start3A_175 = arith.constant 0 : i32
    %dma_start3A_176 = tpu.memref_slice %arg6[%dma_start3A_165, %dma_start3A_174, %dma_start3A_175] : memref<5x128x128xf32, #tpu.memory_space<vmem>> -> memref<1x128x128xf32, #tpu.memory_space<vmem>>
    %dma_start3A_177 = tpu.memref_squeeze %dma_start3A_176 : memref<1x128x128xf32, #tpu.memory_space<vmem>> -> memref<128x128xf32, #tpu.memory_space<vmem>>
    tpu.enqueue_dma source(%dma_start3A_177 : memref<128x128xf32, #tpu.memory_space<vmem>>) target(%dma_start3A_173 : memref<128x128xf32, #tpu.memory_space<hbm>>) target_semaphore(%arg16 : memref<!tpu.dma_semaphore, #tpu.memory_space<semaphore_mem>>)
    %add3A_178 = arith.constant 128 : i32
    %add3A_179 = arith.addi %mul3A_2, %add3A_178 : i32
    %dma_wait3A_180 = arith.constant 1 : i32
    %dma_wait3A_181 = arith.constant 0 : i32
    %dma_wait3A_182 = arith.constant 0 : i32
    %dma_wait3A_183 = tpu.memref_slice %arg6[%dma_wait3A_180, %dma_wait3A_181, %dma_wait3A_182] : memref<5x128x128xf32, #tpu.memory_space<vmem>> -> memref<1x128x128xf32, #tpu.memory_space<vmem>>
    %dma_wait3A_184 = tpu.memref_squeeze %dma_wait3A_183 : memref<1x128x128xf32, #tpu.memory_space<vmem>> -> memref<128x128xf32, #tpu.memory_space<vmem>>
    %dma_wait3A_185 = arith.constant 0 : i32
    %dma_wait3A_186 = tpu.memref_slice %arg4[%add3A_179, %dma_wait3A_185] : memref<204800x128xf32, #tpu.memory_space<hbm>> -> memref<128x128xf32, #tpu.memory_space<hbm>>
    %dma_wait3A_187 = arith.constant 0 : i32
    %dma_wait3A_188 = tpu.memref_slice %arg4[%add3A_179, %dma_wait3A_187] : memref<204800x128xf32, #tpu.memory_space<hbm>> -> memref<128x128xf32, #tpu.memory_space<hbm>>
    %dma_wait3A_189 = arith.constant 0 : i32
    %dma_wait3A_190 = arith.constant 0 : i32
    %dma_wait3A_191 = tpu.memref_slice %arg6[%dma_wait3A_180, %dma_wait3A_189, %dma_wait3A_190] : memref<5x128x128xf32, #tpu.memory_space<vmem>> -> memref<1x128x128xf32, #tpu.memory_space<vmem>>
    %dma_wait3A_192 = tpu.memref_squeeze %dma_wait3A_191 : memref<1x128x128xf32, #tpu.memory_space<vmem>> -> memref<128x128xf32, #tpu.memory_space<vmem>>
    tpu.wait_dma2 semaphore(%arg14 : memref<!tpu.dma_semaphore, #tpu.memory_space<semaphore_mem>>) src(%dma_wait3A_192 : memref<128x128xf32, #tpu.memory_space<vmem>>) dst(%dma_wait3A_188 : memref<128x128xf32, #tpu.memory_space<hbm>>)
    %dma_start3A_193 = arith.constant 1 : i32
    %dma_start3A_194 = arith.constant 0 : i32
    %dma_start3A_195 = arith.constant 0 : i32
    %dma_start3A_196 = tpu.memref_slice %arg6[%dma_start3A_193, %dma_start3A_194, %dma_start3A_195] : memref<5x128x128xf32, #tpu.memory_space<vmem>> -> memref<1x128x128xf32, #tpu.memory_space<vmem>>
    %dma_start3A_197 = tpu.memref_squeeze %dma_start3A_196 : memref<1x128x128xf32, #tpu.memory_space<vmem>> -> memref<128x128xf32, #tpu.memory_space<vmem>>
    %dma_start3A_198 = arith.constant 768 : i32
    %dma_start3A_199 = tpu.memref_slice %arg5[%dma_start3A_198] : memref<6400xi32, #tpu.memory_space<vmem>> -> memref<128xi32, #tpu.memory_space<vmem>>
    %dma_start3A_200 = arith.constant 0 : i32
    %dma_start3A_201 = arith.constant 0 : i32
    %dma_start3A_202 = tpu.memref_slice %arg7[%dma_start3A_200, %dma_start3A_201] : memref<1000x128xf32, #tpu.memory_space<vmem_shared>> -> memref<1000x128xf32, #tpu.memory_space<vmem_shared>>
    tpu.enqueue_indirect_dma source(%dma_start3A_202 : memref<1000x128xf32, #tpu.memory_space<vmem_shared>>) target(%dma_start3A_197 : memref<128x128xf32, #tpu.memory_space<vmem>>) offsets(%dma_start3A_199 : memref<128xi32, #tpu.memory_space<vmem>>) semaphore(%arg9 : memref<!tpu.dma_semaphore, #tpu.memory_space<semaphore_mem>>)
    %dma_wait3A_203 = arith.constant 4 : i32
    %dma_wait3A_204 = arith.constant 0 : i32
    %dma_wait3A_205 = arith.constant 0 : i32
    %dma_wait3A_206 = tpu.memref_slice %arg6[%dma_wait3A_203, %dma_wait3A_204, %dma_wait3A_205] : memref<5x128x128xf32, #tpu.memory_space<vmem>> -> memref<1x128x128xf32, #tpu.memory_space<vmem>>
    %dma_wait3A_207 = tpu.memref_squeeze %dma_wait3A_206 : memref<1x128x128xf32, #tpu.memory_space<vmem>> -> memref<128x128xf32, #tpu.memory_space<vmem>>
    %dma_wait3A_208 = arith.constant 512 : i32
    %dma_wait3A_209 = tpu.memref_slice %arg5[%dma_wait3A_208] : memref<6400xi32, #tpu.memory_space<vmem>> -> memref<128xi32, #tpu.memory_space<vmem>>
    %dma_wait3A_210 = arith.constant 0 : i32
    %dma_wait3A_211 = arith.constant 0 : i32
    %dma_wait3A_212 = tpu.memref_slice %arg7[%dma_wait3A_210, %dma_wait3A_211] : memref<1000x128xf32, #tpu.memory_space<vmem_shared>> -> memref<1000x128xf32, #tpu.memory_space<vmem_shared>>
    tpu.wait_indirect_dma semaphore(%arg12 : memref<!tpu.dma_semaphore, #tpu.memory_space<semaphore_mem>>) src(%dma_wait3A_212 : memref<1000x128xf32, #tpu.memory_space<vmem_shared>>) dst(%dma_wait3A_207 : memref<128x128xf32, #tpu.memory_space<vmem>>)
    %add3A_213 = arith.constant 512 : i32
    %add3A_214 = arith.addi %mul3A_2, %add3A_213 : i32
    %dma_start3A_215 = arith.constant 4 : i32
    %dma_start3A_216 = arith.constant 0 : i32
    %dma_start3A_217 = arith.constant 0 : i32
    %dma_start3A_218 = tpu.memref_slice %arg6[%dma_start3A_215, %dma_start3A_216, %dma_start3A_217] : memref<5x128x128xf32, #tpu.memory_space<vmem>> -> memref<1x128x128xf32, #tpu.memory_space<vmem>>
    %dma_start3A_219 = tpu.memref_squeeze %dma_start3A_218 : memref<1x128x128xf32, #tpu.memory_space<vmem>> -> memref<128x128xf32, #tpu.memory_space<vmem>>
    %dma_start3A_220 = arith.constant 0 : i32
    %dma_start3A_221 = tpu.memref_slice %arg4[%add3A_214, %dma_start3A_220] : memref<204800x128xf32, #tpu.memory_space<hbm>> -> memref<128x128xf32, #tpu.memory_space<hbm>>
    %dma_start3A_222 = arith.constant 0 : i32
    %dma_start3A_223 = tpu.memref_slice %arg4[%add3A_214, %dma_start3A_222] : memref<204800x128xf32, #tpu.memory_space<hbm>> -> memref<128x128xf32, #tpu.memory_space<hbm>>
    %dma_start3A_224 = arith.constant 0 : i32
    %dma_start3A_225 = arith.constant 0 : i32
    %dma_start3A_226 = tpu.memref_slice %arg6[%dma_start3A_215, %dma_start3A_224, %dma_start3A_225] : memref<5x128x128xf32, #tpu.memory_space<vmem>> -> memref<1x128x128xf32, #tpu.memory_space<vmem>>
    %dma_start3A_227 = tpu.memref_squeeze %dma_start3A_226 : memref<1x128x128xf32, #tpu.memory_space<vmem>> -> memref<128x128xf32, #tpu.memory_space<vmem>>
    tpu.enqueue_dma source(%dma_start3A_227 : memref<128x128xf32, #tpu.memory_space<vmem>>) target(%dma_start3A_223 : memref<128x128xf32, #tpu.memory_space<hbm>>) target_semaphore(%arg17 : memref<!tpu.dma_semaphore, #tpu.memory_space<semaphore_mem>>)
    %add3A_228 = arith.constant 256 : i32
    %add3A_229 = arith.addi %mul3A_2, %add3A_228 : i32
    %dma_wait3A_230 = arith.constant 2 : i32
    %dma_wait3A_231 = arith.constant 0 : i32
    %dma_wait3A_232 = arith.constant 0 : i32
    %dma_wait3A_233 = tpu.memref_slice %arg6[%dma_wait3A_230, %dma_wait3A_231, %dma_wait3A_232] : memref<5x128x128xf32, #tpu.memory_space<vmem>> -> memref<1x128x128xf32, #tpu.memory_space<vmem>>
    %dma_wait3A_234 = tpu.memref_squeeze %dma_wait3A_233 : memref<1x128x128xf32, #tpu.memory_space<vmem>> -> memref<128x128xf32, #tpu.memory_space<vmem>>
    %dma_wait3A_235 = arith.constant 0 : i32
    %dma_wait3A_236 = tpu.memref_slice %arg4[%add3A_229, %dma_wait3A_235] : memref<204800x128xf32, #tpu.memory_space<hbm>> -> memref<128x128xf32, #tpu.memory_space<hbm>>
    %dma_wait3A_237 = arith.constant 0 : i32
    %dma_wait3A_238 = tpu.memref_slice %arg4[%add3A_229, %dma_wait3A_237] : memref<204800x128xf32, #tpu.memory_space<hbm>> -> memref<128x128xf32, #tpu.memory_space<hbm>>
    %dma_wait3A_239 = arith.constant 0 : i32
    %dma_wait3A_240 = arith.constant 0 : i32
    %dma_wait3A_241 = tpu.memref_slice %arg6[%dma_wait3A_230, %dma_wait3A_239, %dma_wait3A_240] : memref<5x128x128xf32, #tpu.memory_space<vmem>> -> memref<1x128x128xf32, #tpu.memory_space<vmem>>
    %dma_wait3A_242 = tpu.memref_squeeze %dma_wait3A_241 : memref<1x128x128xf32, #tpu.memory_space<vmem>> -> memref<128x128xf32, #tpu.memory_space<vmem>>
    tpu.wait_dma2 semaphore(%arg15 : memref<!tpu.dma_semaphore, #tpu.memory_space<semaphore_mem>>) src(%dma_wait3A_242 : memref<128x128xf32, #tpu.memory_space<vmem>>) dst(%dma_wait3A_238 : memref<128x128xf32, #tpu.memory_space<hbm>>)
    %dma_start3A_243 = arith.constant 2 : i32
    %dma_start3A_244 = arith.constant 0 : i32
    %dma_start3A_245 = arith.constant 0 : i32
    %dma_start3A_246 = tpu.memref_slice %arg6[%dma_start3A_243, %dma_start3A_244, %dma_start3A_245] : memref<5x128x128xf32, #tpu.memory_space<vmem>> -> memref<1x128x128xf32, #tpu.memory_space<vmem>>
    %dma_start3A_247 = tpu.memref_squeeze %dma_start3A_246 : memref<1x128x128xf32, #tpu.memory_space<vmem>> -> memref<128x128xf32, #tpu.memory_space<vmem>>
    %dma_start3A_248 = arith.constant 896 : i32
    %dma_start3A_249 = tpu.memref_slice %arg5[%dma_start3A_248] : memref<6400xi32, #tpu.memory_space<vmem>> -> memref<128xi32, #tpu.memory_space<vmem>>
    %dma_start3A_250 = arith.constant 0 : i32
    %dma_start3A_251 = arith.constant 0 : i32
    %dma_start3A_252 = tpu.memref_slice %arg7[%dma_start3A_250, %dma_start3A_251] : memref<1000x128xf32, #tpu.memory_space<vmem_shared>> -> memref<1000x128xf32, #tpu.memory_space<vmem_shared>>
    tpu.enqueue_indirect_dma source(%dma_start3A_252 : memref<1000x128xf32, #tpu.memory_space<vmem_shared>>) target(%dma_start3A_247 : memref<128x128xf32, #tpu.memory_space<vmem>>) offsets(%dma_start3A_249 : memref<128xi32, #tpu.memory_space<vmem>>) semaphore(%arg10 : memref<!tpu.dma_semaphore, #tpu.memory_space<semaphore_mem>>)
    %scan3A = arith.constant 0 : i32
    %scan3A_253 = arith.constant 1 : i32
    %scan3A_254 = arith.constant 8 : i32
    %scan3A_255 = arith.addi %scan3A_253, %scan3A_254 : i32
    %scan3A_256 = arith.constant 1 : i32
    scf.for %scan3A_508 = %scan3A_253 to %scan3A_255 step %scan3A_256  : i32 {
      %mul3A_509 = arith.constant 5 : i32
      %mul3A_510 = arith.muli %mul3A_509, %scan3A_508 : i32
      %add3A_511 = arith.constant 0 : i32
      %add3A_512 = arith.addi %mul3A_510, %add3A_511 : i32
      %mul3A_513 = arith.constant 128 : i32
      %mul3A_514 = arith.muli %add3A_512, %mul3A_513 : i32
      %dma_wait3A_515 = arith.constant 0 : i32
      %dma_wait3A_516 = arith.constant 0 : i32
      %dma_wait3A_517 = arith.constant 0 : i32
      %dma_wait3A_518 = tpu.memref_slice %arg6[%dma_wait3A_515, %dma_wait3A_516, %dma_wait3A_517] : memref<5x128x128xf32, #tpu.memory_space<vmem>> -> memref<1x128x128xf32, #tpu.memory_space<vmem>>
      %dma_wait3A_519 = tpu.memref_squeeze %dma_wait3A_518 : memref<1x128x128xf32, #tpu.memory_space<vmem>> -> memref<128x128xf32, #tpu.memory_space<vmem>>
      %dma_wait3A_520 = tpu.memref_slice %arg5[%mul3A_514] : memref<6400xi32, #tpu.memory_space<vmem>> -> memref<128xi32, #tpu.memory_space<vmem>>
      %dma_wait3A_521 = arith.constant 0 : i32
      %dma_wait3A_522 = arith.constant 0 : i32
      %dma_wait3A_523 = tpu.memref_slice %arg7[%dma_wait3A_521, %dma_wait3A_522] : memref<1000x128xf32, #tpu.memory_space<vmem_shared>> -> memref<1000x128xf32, #tpu.memory_space<vmem_shared>>
      tpu.wait_indirect_dma semaphore(%arg8 : memref<!tpu.dma_semaphore, #tpu.memory_space<semaphore_mem>>) src(%dma_wait3A_523 : memref<1000x128xf32, #tpu.memory_space<vmem_shared>>) dst(%dma_wait3A_519 : memref<128x128xf32, #tpu.memory_space<vmem>>)
      %mul3A_524 = arith.constant 128 : i32
      %mul3A_525 = arith.muli %add3A_512, %mul3A_524 : i32
      %add3A_526 = arith.addi %mul3A_2, %mul3A_525 : i32
      %dma_start3A_527 = arith.constant 0 : i32
      %dma_start3A_528 = arith.constant 0 : i32
      %dma_start3A_529 = arith.constant 0 : i32
      %dma_start3A_530 = tpu.memref_slice %arg6[%dma_start3A_527, %dma_start3A_528, %dma_start3A_529] : memref<5x128x128xf32, #tpu.memory_space<vmem>> -> memref<1x128x128xf32, #tpu.memory_space<vmem>>
      %dma_start3A_531 = tpu.memref_squeeze %dma_start3A_530 : memref<1x128x128xf32, #tpu.memory_space<vmem>> -> memref<128x128xf32, #tpu.memory_space<vmem>>
      %dma_start3A_532 = arith.constant 0 : i32
      %dma_start3A_533 = tpu.memref_slice %arg4[%add3A_526, %dma_start3A_532] : memref<204800x128xf32, #tpu.memory_space<hbm>> -> memref<128x128xf32, #tpu.memory_space<hbm>>
      %dma_start3A_534 = arith.constant 0 : i32
      %dma_start3A_535 = tpu.memref_slice %arg4[%add3A_526, %dma_start3A_534] : memref<204800x128xf32, #tpu.memory_space<hbm>> -> memref<128x128xf32, #tpu.memory_space<hbm>>
      %dma_start3A_536 = arith.constant 0 : i32
      %dma_start3A_537 = arith.constant 0 : i32
      %dma_start3A_538 = tpu.memref_slice %arg6[%dma_start3A_527, %dma_start3A_536, %dma_start3A_537] : memref<5x128x128xf32, #tpu.memory_space<vmem>> -> memref<1x128x128xf32, #tpu.memory_space<vmem>>
      %dma_start3A_539 = tpu.memref_squeeze %dma_start3A_538 : memref<1x128x128xf32, #tpu.memory_space<vmem>> -> memref<128x128xf32, #tpu.memory_space<vmem>>
      tpu.enqueue_dma source(%dma_start3A_539 : memref<128x128xf32, #tpu.memory_space<vmem>>) target(%dma_start3A_535 : memref<128x128xf32, #tpu.memory_space<hbm>>) target_semaphore(%arg13 : memref<!tpu.dma_semaphore, #tpu.memory_space<semaphore_mem>>)
      %add3A_540 = arith.constant 0 : i32
      %add3A_541 = arith.addi %mul3A_510, %add3A_540 : i32
      %add3A_542 = arith.constant 3 : i32
      %add3A_543 = arith.addi %add3A_541, %add3A_542 : i32
      %sub3A = arith.constant 5 : i32
      %sub3A_544 = arith.subi %add3A_543, %sub3A : i32
      %mul3A_545 = arith.constant 128 : i32
      %mul3A_546 = arith.muli %sub3A_544, %mul3A_545 : i32
      %add3A_547 = arith.addi %mul3A_2, %mul3A_546 : i32
      %dma_wait3A_548 = arith.constant 3 : i32
      %dma_wait3A_549 = arith.constant 0 : i32
      %dma_wait3A_550 = arith.constant 0 : i32
      %dma_wait3A_551 = tpu.memref_slice %arg6[%dma_wait3A_548, %dma_wait3A_549, %dma_wait3A_550] : memref<5x128x128xf32, #tpu.memory_space<vmem>> -> memref<1x128x128xf32, #tpu.memory_space<vmem>>
      %dma_wait3A_552 = tpu.memref_squeeze %dma_wait3A_551 : memref<1x128x128xf32, #tpu.memory_space<vmem>> -> memref<128x128xf32, #tpu.memory_space<vmem>>
      %dma_wait3A_553 = arith.constant 0 : i32
      %dma_wait3A_554 = tpu.memref_slice %arg4[%add3A_547, %dma_wait3A_553] : memref<204800x128xf32, #tpu.memory_space<hbm>> -> memref<128x128xf32, #tpu.memory_space<hbm>>
      %dma_wait3A_555 = arith.constant 0 : i32
      %dma_wait3A_556 = tpu.memref_slice %arg4[%add3A_547, %dma_wait3A_555] : memref<204800x128xf32, #tpu.memory_space<hbm>> -> memref<128x128xf32, #tpu.memory_space<hbm>>
      %dma_wait3A_557 = arith.constant 0 : i32
      %dma_wait3A_558 = arith.constant 0 : i32
      %dma_wait3A_559 = tpu.memref_slice %arg6[%dma_wait3A_548, %dma_wait3A_557, %dma_wait3A_558] : memref<5x128x128xf32, #tpu.memory_space<vmem>> -> memref<1x128x128xf32, #tpu.memory_space<vmem>>
      %dma_wait3A_560 = tpu.memref_squeeze %dma_wait3A_559 : memref<1x128x128xf32, #tpu.memory_space<vmem>> -> memref<128x128xf32, #tpu.memory_space<vmem>>
      tpu.wait_dma2 semaphore(%arg16 : memref<!tpu.dma_semaphore, #tpu.memory_space<semaphore_mem>>) src(%dma_wait3A_560 : memref<128x128xf32, #tpu.memory_space<vmem>>) dst(%dma_wait3A_556 : memref<128x128xf32, #tpu.memory_space<hbm>>)
      %add3A_561 = arith.constant 3 : i32
      %add3A_562 = arith.addi %add3A_541, %add3A_561 : i32
      %mul3A_563 = arith.constant 128 : i32
      %mul3A_564 = arith.muli %add3A_562, %mul3A_563 : i32
      %dma_start3A_565 = arith.constant 3 : i32
      %dma_start3A_566 = arith.constant 0 : i32
      %dma_start3A_567 = arith.constant 0 : i32
      %dma_start3A_568 = tpu.memref_slice %arg6[%dma_start3A_565, %dma_start3A_566, %dma_start3A_567] : memref<5x128x128xf32, #tpu.memory_space<vmem>> -> memref<1x128x128xf32, #tpu.memory_space<vmem>>
      %dma_start3A_569 = tpu.memref_squeeze %dma_start3A_568 : memref<1x128x128xf32, #tpu.memory_space<vmem>> -> memref<128x128xf32, #tpu.memory_space<vmem>>
      %dma_start3A_570 = tpu.memref_slice %arg5[%mul3A_564] : memref<6400xi32, #tpu.memory_space<vmem>> -> memref<128xi32, #tpu.memory_space<vmem>>
      %dma_start3A_571 = arith.constant 0 : i32
      %dma_start3A_572 = arith.constant 0 : i32
      %dma_start3A_573 = tpu.memref_slice %arg7[%dma_start3A_571, %dma_start3A_572] : memref<1000x128xf32, #tpu.memory_space<vmem_shared>> -> memref<1000x128xf32, #tpu.memory_space<vmem_shared>>
      tpu.enqueue_indirect_dma source(%dma_start3A_573 : memref<1000x128xf32, #tpu.memory_space<vmem_shared>>) target(%dma_start3A_569 : memref<128x128xf32, #tpu.memory_space<vmem>>) offsets(%dma_start3A_570 : memref<128xi32, #tpu.memory_space<vmem>>) semaphore(%arg11 : memref<!tpu.dma_semaphore, #tpu.memory_space<semaphore_mem>>)
      %add3A_574 = arith.constant 1 : i32
      %add3A_575 = arith.addi %mul3A_510, %add3A_574 : i32
      %mul3A_576 = arith.constant 128 : i32
      %mul3A_577 = arith.muli %add3A_575, %mul3A_576 : i32
      %dma_wait3A_578 = arith.constant 1 : i32
      %dma_wait3A_579 = arith.constant 0 : i32
      %dma_wait3A_580 = arith.constant 0 : i32
      %dma_wait3A_581 = tpu.memref_slice %arg6[%dma_wait3A_578, %dma_wait3A_579, %dma_wait3A_580] : memref<5x128x128xf32, #tpu.memory_space<vmem>> -> memref<1x128x128xf32, #tpu.memory_space<vmem>>
      %dma_wait3A_582 = tpu.memref_squeeze %dma_wait3A_581 : memref<1x128x128xf32, #tpu.memory_space<vmem>> -> memref<128x128xf32, #tpu.memory_space<vmem>>
      %dma_wait3A_583 = tpu.memref_slice %arg5[%mul3A_577] : memref<6400xi32, #tpu.memory_space<vmem>> -> memref<128xi32, #tpu.memory_space<vmem>>
      %dma_wait3A_584 = arith.constant 0 : i32
      %dma_wait3A_585 = arith.constant 0 : i32
      %dma_wait3A_586 = tpu.memref_slice %arg7[%dma_wait3A_584, %dma_wait3A_585] : memref<1000x128xf32, #tpu.memory_space<vmem_shared>> -> memref<1000x128xf32, #tpu.memory_space<vmem_shared>>
      tpu.wait_indirect_dma semaphore(%arg9 : memref<!tpu.dma_semaphore, #tpu.memory_space<semaphore_mem>>) src(%dma_wait3A_586 : memref<1000x128xf32, #tpu.memory_space<vmem_shared>>) dst(%dma_wait3A_582 : memref<128x128xf32, #tpu.memory_space<vmem>>)
      %mul3A_587 = arith.constant 128 : i32
      %mul3A_588 = arith.muli %add3A_575, %mul3A_587 : i32
      %add3A_589 = arith.addi %mul3A_2, %mul3A_588 : i32
      %dma_start3A_590 = arith.constant 1 : i32
      %dma_start3A_591 = arith.constant 0 : i32
      %dma_start3A_592 = arith.constant 0 : i32
      %dma_start3A_593 = tpu.memref_slice %arg6[%dma_start3A_590, %dma_start3A_591, %dma_start3A_592] : memref<5x128x128xf32, #tpu.memory_space<vmem>> -> memref<1x128x128xf32, #tpu.memory_space<vmem>>
      %dma_start3A_594 = tpu.memref_squeeze %dma_start3A_593 : memref<1x128x128xf32, #tpu.memory_space<vmem>> -> memref<128x128xf32, #tpu.memory_space<vmem>>
      %dma_start3A_595 = arith.constant 0 : i32
      %dma_start3A_596 = tpu.memref_slice %arg4[%add3A_589, %dma_start3A_595] : memref<204800x128xf32, #tpu.memory_space<hbm>> -> memref<128x128xf32, #tpu.memory_space<hbm>>
      %dma_start3A_597 = arith.constant 0 : i32
      %dma_start3A_598 = tpu.memref_slice %arg4[%add3A_589, %dma_start3A_597] : memref<204800x128xf32, #tpu.memory_space<hbm>> -> memref<128x128xf32, #tpu.memory_space<hbm>>
      %dma_start3A_599 = arith.constant 0 : i32
      %dma_start3A_600 = arith.constant 0 : i32
      %dma_start3A_601 = tpu.memref_slice %arg6[%dma_start3A_590, %dma_start3A_599, %dma_start3A_600] : memref<5x128x128xf32, #tpu.memory_space<vmem>> -> memref<1x128x128xf32, #tpu.memory_space<vmem>>
      %dma_start3A_602 = tpu.memref_squeeze %dma_start3A_601 : memref<1x128x128xf32, #tpu.memory_space<vmem>> -> memref<128x128xf32, #tpu.memory_space<vmem>>
      tpu.enqueue_dma source(%dma_start3A_602 : memref<128x128xf32, #tpu.memory_space<vmem>>) target(%dma_start3A_598 : memref<128x128xf32, #tpu.memory_space<hbm>>) target_semaphore(%arg14 : memref<!tpu.dma_semaphore, #tpu.memory_space<semaphore_mem>>)
      %add3A_603 = arith.constant 1 : i32
      %add3A_604 = arith.addi %mul3A_510, %add3A_603 : i32
      %add3A_605 = arith.constant 3 : i32
      %add3A_606 = arith.addi %add3A_604, %add3A_605 : i32
      %sub3A_607 = arith.constant 5 : i32
      %sub3A_608 = arith.subi %add3A_606, %sub3A_607 : i32
      %mul3A_609 = arith.constant 128 : i32
      %mul3A_610 = arith.muli %sub3A_608, %mul3A_609 : i32
      %add3A_611 = arith.addi %mul3A_2, %mul3A_610 : i32
      %dma_wait3A_612 = arith.constant 4 : i32
      %dma_wait3A_613 = arith.constant 0 : i32
      %dma_wait3A_614 = arith.constant 0 : i32
      %dma_wait3A_615 = tpu.memref_slice %arg6[%dma_wait3A_612, %dma_wait3A_613, %dma_wait3A_614] : memref<5x128x128xf32, #tpu.memory_space<vmem>> -> memref<1x128x128xf32, #tpu.memory_space<vmem>>
      %dma_wait3A_616 = tpu.memref_squeeze %dma_wait3A_615 : memref<1x128x128xf32, #tpu.memory_space<vmem>> -> memref<128x128xf32, #tpu.memory_space<vmem>>
      %dma_wait3A_617 = arith.constant 0 : i32
      %dma_wait3A_618 = tpu.memref_slice %arg4[%add3A_611, %dma_wait3A_617] : memref<204800x128xf32, #tpu.memory_space<hbm>> -> memref<128x128xf32, #tpu.memory_space<hbm>>
      %dma_wait3A_619 = arith.constant 0 : i32
      %dma_wait3A_620 = tpu.memref_slice %arg4[%add3A_611, %dma_wait3A_619] : memref<204800x128xf32, #tpu.memory_space<hbm>> -> memref<128x128xf32, #tpu.memory_space<hbm>>
      %dma_wait3A_621 = arith.constant 0 : i32
      %dma_wait3A_622 = arith.constant 0 : i32
      %dma_wait3A_623 = tpu.memref_slice %arg6[%dma_wait3A_612, %dma_wait3A_621, %dma_wait3A_622] : memref<5x128x128xf32, #tpu.memory_space<vmem>> -> memref<1x128x128xf32, #tpu.memory_space<vmem>>
      %dma_wait3A_624 = tpu.memref_squeeze %dma_wait3A_623 : memref<1x128x128xf32, #tpu.memory_space<vmem>> -> memref<128x128xf32, #tpu.memory_space<vmem>>
      tpu.wait_dma2 semaphore(%arg17 : memref<!tpu.dma_semaphore, #tpu.memory_space<semaphore_mem>>) src(%dma_wait3A_624 : memref<128x128xf32, #tpu.memory_space<vmem>>) dst(%dma_wait3A_620 : memref<128x128xf32, #tpu.memory_space<hbm>>)
      %add3A_625 = arith.constant 3 : i32
      %add3A_626 = arith.addi %add3A_604, %add3A_625 : i32
      %mul3A_627 = arith.constant 128 : i32
      %mul3A_628 = arith.muli %add3A_626, %mul3A_627 : i32
      %dma_start3A_629 = arith.constant 4 : i32
      %dma_start3A_630 = arith.constant 0 : i32
      %dma_start3A_631 = arith.constant 0 : i32
      %dma_start3A_632 = tpu.memref_slice %arg6[%dma_start3A_629, %dma_start3A_630, %dma_start3A_631] : memref<5x128x128xf32, #tpu.memory_space<vmem>> -> memref<1x128x128xf32, #tpu.memory_space<vmem>>
      %dma_start3A_633 = tpu.memref_squeeze %dma_start3A_632 : memref<1x128x128xf32, #tpu.memory_space<vmem>> -> memref<128x128xf32, #tpu.memory_space<vmem>>
      %dma_start3A_634 = tpu.memref_slice %arg5[%mul3A_628] : memref<6400xi32, #tpu.memory_space<vmem>> -> memref<128xi32, #tpu.memory_space<vmem>>
      %dma_start3A_635 = arith.constant 0 : i32
      %dma_start3A_636 = arith.constant 0 : i32
      %dma_start3A_637 = tpu.memref_slice %arg7[%dma_start3A_635, %dma_start3A_636] : memref<1000x128xf32, #tpu.memory_space<vmem_shared>> -> memref<1000x128xf32, #tpu.memory_space<vmem_shared>>
      tpu.enqueue_indirect_dma source(%dma_start3A_637 : memref<1000x128xf32, #tpu.memory_space<vmem_shared>>) target(%dma_start3A_633 : memref<128x128xf32, #tpu.memory_space<vmem>>) offsets(%dma_start3A_634 : memref<128xi32, #tpu.memory_space<vmem>>) semaphore(%arg12 : memref<!tpu.dma_semaphore, #tpu.memory_space<semaphore_mem>>)
      %add3A_638 = arith.constant 2 : i32
      %add3A_639 = arith.addi %mul3A_510, %add3A_638 : i32
      %mul3A_640 = arith.constant 128 : i32
      %mul3A_641 = arith.muli %add3A_639, %mul3A_640 : i32
      %dma_wait3A_642 = arith.constant 2 : i32
      %dma_wait3A_643 = arith.constant 0 : i32
      %dma_wait3A_644 = arith.constant 0 : i32
      %dma_wait3A_645 = tpu.memref_slice %arg6[%dma_wait3A_642, %dma_wait3A_643, %dma_wait3A_644] : memref<5x128x128xf32, #tpu.memory_space<vmem>> -> memref<1x128x128xf32, #tpu.memory_space<vmem>>
      %dma_wait3A_646 = tpu.memref_squeeze %dma_wait3A_645 : memref<1x128x128xf32, #tpu.memory_space<vmem>> -> memref<128x128xf32, #tpu.memory_space<vmem>>
      %dma_wait3A_647 = tpu.memref_slice %arg5[%mul3A_641] : memref<6400xi32, #tpu.memory_space<vmem>> -> memref<128xi32, #tpu.memory_space<vmem>>
      %dma_wait3A_648 = arith.constant 0 : i32
      %dma_wait3A_649 = arith.constant 0 : i32
      %dma_wait3A_650 = tpu.memref_slice %arg7[%dma_wait3A_648, %dma_wait3A_649] : memref<1000x128xf32, #tpu.memory_space<vmem_shared>> -> memref<1000x128xf32, #tpu.memory_space<vmem_shared>>
      tpu.wait_indirect_dma semaphore(%arg10 : memref<!tpu.dma_semaphore, #tpu.memory_space<semaphore_mem>>) src(%dma_wait3A_650 : memref<1000x128xf32, #tpu.memory_space<vmem_shared>>) dst(%dma_wait3A_646 : memref<128x128xf32, #tpu.memory_space<vmem>>)
      %mul3A_651 = arith.constant 128 : i32
      %mul3A_652 = arith.muli %add3A_639, %mul3A_651 : i32
      %add3A_653 = arith.addi %mul3A_2, %mul3A_652 : i32
      %dma_start3A_654 = arith.constant 2 : i32
      %dma_start3A_655 = arith.constant 0 : i32
      %dma_start3A_656 = arith.constant 0 : i32
      %dma_start3A_657 = tpu.memref_slice %arg6[%dma_start3A_654, %dma_start3A_655, %dma_start3A_656] : memref<5x128x128xf32, #tpu.memory_space<vmem>> -> memref<1x128x128xf32, #tpu.memory_space<vmem>>
      %dma_start3A_658 = tpu.memref_squeeze %dma_start3A_657 : memref<1x128x128xf32, #tpu.memory_space<vmem>> -> memref<128x128xf32, #tpu.memory_space<vmem>>
      %dma_start3A_659 = arith.constant 0 : i32
      %dma_start3A_660 = tpu.memref_slice %arg4[%add3A_653, %dma_start3A_659] : memref<204800x128xf32, #tpu.memory_space<hbm>> -> memref<128x128xf32, #tpu.memory_space<hbm>>
      %dma_start3A_661 = arith.constant 0 : i32
      %dma_start3A_662 = tpu.memref_slice %arg4[%add3A_653, %dma_start3A_661] : memref<204800x128xf32, #tpu.memory_space<hbm>> -> memref<128x128xf32, #tpu.memory_space<hbm>>
      %dma_start3A_663 = arith.constant 0 : i32
      %dma_start3A_664 = arith.constant 0 : i32
      %dma_start3A_665 = tpu.memref_slice %arg6[%dma_start3A_654, %dma_start3A_663, %dma_start3A_664] : memref<5x128x128xf32, #tpu.memory_space<vmem>> -> memref<1x128x128xf32, #tpu.memory_space<vmem>>
      %dma_start3A_666 = tpu.memref_squeeze %dma_start3A_665 : memref<1x128x128xf32, #tpu.memory_space<vmem>> -> memref<128x128xf32, #tpu.memory_space<vmem>>
      tpu.enqueue_dma source(%dma_start3A_666 : memref<128x128xf32, #tpu.memory_space<vmem>>) target(%dma_start3A_662 : memref<128x128xf32, #tpu.memory_space<hbm>>) target_semaphore(%arg15 : memref<!tpu.dma_semaphore, #tpu.memory_space<semaphore_mem>>)
      %add3A_667 = arith.constant 2 : i32
      %add3A_668 = arith.addi %mul3A_510, %add3A_667 : i32
      %add3A_669 = arith.constant 3 : i32
      %add3A_670 = arith.addi %add3A_668, %add3A_669 : i32
      %sub3A_671 = arith.constant 5 : i32
      %sub3A_672 = arith.subi %add3A_670, %sub3A_671 : i32
      %mul3A_673 = arith.constant 128 : i32
      %mul3A_674 = arith.muli %sub3A_672, %mul3A_673 : i32
      %add3A_675 = arith.addi %mul3A_2, %mul3A_674 : i32
      %dma_wait3A_676 = arith.constant 0 : i32
      %dma_wait3A_677 = arith.constant 0 : i32
      %dma_wait3A_678 = arith.constant 0 : i32
      %dma_wait3A_679 = tpu.memref_slice %arg6[%dma_wait3A_676, %dma_wait3A_677, %dma_wait3A_678] : memref<5x128x128xf32, #tpu.memory_space<vmem>> -> memref<1x128x128xf32, #tpu.memory_space<vmem>>
      %dma_wait3A_680 = tpu.memref_squeeze %dma_wait3A_679 : memref<1x128x128xf32, #tpu.memory_space<vmem>> -> memref<128x128xf32, #tpu.memory_space<vmem>>
      %dma_wait3A_681 = arith.constant 0 : i32
      %dma_wait3A_682 = tpu.memref_slice %arg4[%add3A_675, %dma_wait3A_681] : memref<204800x128xf32, #tpu.memory_space<hbm>> -> memref<128x128xf32, #tpu.memory_space<hbm>>
      %dma_wait3A_683 = arith.constant 0 : i32
      %dma_wait3A_684 = tpu.memref_slice %arg4[%add3A_675, %dma_wait3A_683] : memref<204800x128xf32, #tpu.memory_space<hbm>> -> memref<128x128xf32, #tpu.memory_space<hbm>>
      %dma_wait3A_685 = arith.constant 0 : i32
      %dma_wait3A_686 = arith.constant 0 : i32
      %dma_wait3A_687 = tpu.memref_slice %arg6[%dma_wait3A_676, %dma_wait3A_685, %dma_wait3A_686] : memref<5x128x128xf32, #tpu.memory_space<vmem>> -> memref<1x128x128xf32, #tpu.memory_space<vmem>>
      %dma_wait3A_688 = tpu.memref_squeeze %dma_wait3A_687 : memref<1x128x128xf32, #tpu.memory_space<vmem>> -> memref<128x128xf32, #tpu.memory_space<vmem>>
      tpu.wait_dma2 semaphore(%arg13 : memref<!tpu.dma_semaphore, #tpu.memory_space<semaphore_mem>>) src(%dma_wait3A_688 : memref<128x128xf32, #tpu.memory_space<vmem>>) dst(%dma_wait3A_684 : memref<128x128xf32, #tpu.memory_space<hbm>>)
      %add3A_689 = arith.constant 3 : i32
      %add3A_690 = arith.addi %add3A_668, %add3A_689 : i32
      %mul3A_691 = arith.constant 128 : i32
      %mul3A_692 = arith.muli %add3A_690, %mul3A_691 : i32
      %dma_start3A_693 = arith.constant 0 : i32
      %dma_start3A_694 = arith.constant 0 : i32
      %dma_start3A_695 = arith.constant 0 : i32
      %dma_start3A_696 = tpu.memref_slice %arg6[%dma_start3A_693, %dma_start3A_694, %dma_start3A_695] : memref<5x128x128xf32, #tpu.memory_space<vmem>> -> memref<1x128x128xf32, #tpu.memory_space<vmem>>
      %dma_start3A_697 = tpu.memref_squeeze %dma_start3A_696 : memref<1x128x128xf32, #tpu.memory_space<vmem>> -> memref<128x128xf32, #tpu.memory_space<vmem>>
      %dma_start3A_698 = tpu.memref_slice %arg5[%mul3A_692] : memref<6400xi32, #tpu.memory_space<vmem>> -> memref<128xi32, #tpu.memory_space<vmem>>
      %dma_start3A_699 = arith.constant 0 : i32
      %dma_start3A_700 = arith.constant 0 : i32
      %dma_start3A_701 = tpu.memref_slice %arg7[%dma_start3A_699, %dma_start3A_700] : memref<1000x128xf32, #tpu.memory_space<vmem_shared>> -> memref<1000x128xf32, #tpu.memory_space<vmem_shared>>
      tpu.enqueue_indirect_dma source(%dma_start3A_701 : memref<1000x128xf32, #tpu.memory_space<vmem_shared>>) target(%dma_start3A_697 : memref<128x128xf32, #tpu.memory_space<vmem>>) offsets(%dma_start3A_698 : memref<128xi32, #tpu.memory_space<vmem>>) semaphore(%arg8 : memref<!tpu.dma_semaphore, #tpu.memory_space<semaphore_mem>>)
      %add3A_702 = arith.constant 3 : i32
      %add3A_703 = arith.addi %mul3A_510, %add3A_702 : i32
      %mul3A_704 = arith.constant 128 : i32
      %mul3A_705 = arith.muli %add3A_703, %mul3A_704 : i32
      %dma_wait3A_706 = arith.constant 3 : i32
      %dma_wait3A_707 = arith.constant 0 : i32
      %dma_wait3A_708 = arith.constant 0 : i32
      %dma_wait3A_709 = tpu.memref_slice %arg6[%dma_wait3A_706, %dma_wait3A_707, %dma_wait3A_708] : memref<5x128x128xf32, #tpu.memory_space<vmem>> -> memref<1x128x128xf32, #tpu.memory_space<vmem>>
      %dma_wait3A_710 = tpu.memref_squeeze %dma_wait3A_709 : memref<1x128x128xf32, #tpu.memory_space<vmem>> -> memref<128x128xf32, #tpu.memory_space<vmem>>
      %dma_wait3A_711 = tpu.memref_slice %arg5[%mul3A_705] : memref<6400xi32, #tpu.memory_space<vmem>> -> memref<128xi32, #tpu.memory_space<vmem>>
      %dma_wait3A_712 = arith.constant 0 : i32
      %dma_wait3A_713 = arith.constant 0 : i32
      %dma_wait3A_714 = tpu.memref_slice %arg7[%dma_wait3A_712, %dma_wait3A_713] : memref<1000x128xf32, #tpu.memory_space<vmem_shared>> -> memref<1000x128xf32, #tpu.memory_space<vmem_shared>>
      tpu.wait_indirect_dma semaphore(%arg11 : memref<!tpu.dma_semaphore, #tpu.memory_space<semaphore_mem>>) src(%dma_wait3A_714 : memref<1000x128xf32, #tpu.memory_space<vmem_shared>>) dst(%dma_wait3A_710 : memref<128x128xf32, #tpu.memory_space<vmem>>)
      %mul3A_715 = arith.constant 128 : i32
      %mul3A_716 = arith.muli %add3A_703, %mul3A_715 : i32
      %add3A_717 = arith.addi %mul3A_2, %mul3A_716 : i32
      %dma_start3A_718 = arith.constant 3 : i32
      %dma_start3A_719 = arith.constant 0 : i32
      %dma_start3A_720 = arith.constant 0 : i32
      %dma_start3A_721 = tpu.memref_slice %arg6[%dma_start3A_718, %dma_start3A_719, %dma_start3A_720] : memref<5x128x128xf32, #tpu.memory_space<vmem>> -> memref<1x128x128xf32, #tpu.memory_space<vmem>>
      %dma_start3A_722 = tpu.memref_squeeze %dma_start3A_721 : memref<1x128x128xf32, #tpu.memory_space<vmem>> -> memref<128x128xf32, #tpu.memory_space<vmem>>
      %dma_start3A_723 = arith.constant 0 : i32
      %dma_start3A_724 = tpu.memref_slice %arg4[%add3A_717, %dma_start3A_723] : memref<204800x128xf32, #tpu.memory_space<hbm>> -> memref<128x128xf32, #tpu.memory_space<hbm>>
      %dma_start3A_725 = arith.constant 0 : i32
      %dma_start3A_726 = tpu.memref_slice %arg4[%add3A_717, %dma_start3A_725] : memref<204800x128xf32, #tpu.memory_space<hbm>> -> memref<128x128xf32, #tpu.memory_space<hbm>>
      %dma_start3A_727 = arith.constant 0 : i32
      %dma_start3A_728 = arith.constant 0 : i32
      %dma_start3A_729 = tpu.memref_slice %arg6[%dma_start3A_718, %dma_start3A_727, %dma_start3A_728] : memref<5x128x128xf32, #tpu.memory_space<vmem>> -> memref<1x128x128xf32, #tpu.memory_space<vmem>>
      %dma_start3A_730 = tpu.memref_squeeze %dma_start3A_729 : memref<1x128x128xf32, #tpu.memory_space<vmem>> -> memref<128x128xf32, #tpu.memory_space<vmem>>
      tpu.enqueue_dma source(%dma_start3A_730 : memref<128x128xf32, #tpu.memory_space<vmem>>) target(%dma_start3A_726 : memref<128x128xf32, #tpu.memory_space<hbm>>) target_semaphore(%arg16 : memref<!tpu.dma_semaphore, #tpu.memory_space<semaphore_mem>>)
      %add3A_731 = arith.constant 3 : i32
      %add3A_732 = arith.addi %mul3A_510, %add3A_731 : i32
      %add3A_733 = arith.constant 3 : i32
      %add3A_734 = arith.addi %add3A_732, %add3A_733 : i32
      %sub3A_735 = arith.constant 5 : i32
      %sub3A_736 = arith.subi %add3A_734, %sub3A_735 : i32
      %mul3A_737 = arith.constant 128 : i32
      %mul3A_738 = arith.muli %sub3A_736, %mul3A_737 : i32
      %add3A_739 = arith.addi %mul3A_2, %mul3A_738 : i32
      %dma_wait3A_740 = arith.constant 1 : i32
      %dma_wait3A_741 = arith.constant 0 : i32
      %dma_wait3A_742 = arith.constant 0 : i32
      %dma_wait3A_743 = tpu.memref_slice %arg6[%dma_wait3A_740, %dma_wait3A_741, %dma_wait3A_742] : memref<5x128x128xf32, #tpu.memory_space<vmem>> -> memref<1x128x128xf32, #tpu.memory_space<vmem>>
      %dma_wait3A_744 = tpu.memref_squeeze %dma_wait3A_743 : memref<1x128x128xf32, #tpu.memory_space<vmem>> -> memref<128x128xf32, #tpu.memory_space<vmem>>
      %dma_wait3A_745 = arith.constant 0 : i32
      %dma_wait3A_746 = tpu.memref_slice %arg4[%add3A_739, %dma_wait3A_745] : memref<204800x128xf32, #tpu.memory_space<hbm>> -> memref<128x128xf32, #tpu.memory_space<hbm>>
      %dma_wait3A_747 = arith.constant 0 : i32
      %dma_wait3A_748 = tpu.memref_slice %arg4[%add3A_739, %dma_wait3A_747] : memref<204800x128xf32, #tpu.memory_space<hbm>> -> memref<128x128xf32, #tpu.memory_space<hbm>>
      %dma_wait3A_749 = arith.constant 0 : i32
      %dma_wait3A_750 = arith.constant 0 : i32
      %dma_wait3A_751 = tpu.memref_slice %arg6[%dma_wait3A_740, %dma_wait3A_749, %dma_wait3A_750] : memref<5x128x128xf32, #tpu.memory_space<vmem>> -> memref<1x128x128xf32, #tpu.memory_space<vmem>>
      %dma_wait3A_752 = tpu.memref_squeeze %dma_wait3A_751 : memref<1x128x128xf32, #tpu.memory_space<vmem>> -> memref<128x128xf32, #tpu.memory_space<vmem>>
      tpu.wait_dma2 semaphore(%arg14 : memref<!tpu.dma_semaphore, #tpu.memory_space<semaphore_mem>>) src(%dma_wait3A_752 : memref<128x128xf32, #tpu.memory_space<vmem>>) dst(%dma_wait3A_748 : memref<128x128xf32, #tpu.memory_space<hbm>>)
      %add3A_753 = arith.constant 3 : i32
      %add3A_754 = arith.addi %add3A_732, %add3A_753 : i32
      %mul3A_755 = arith.constant 128 : i32
      %mul3A_756 = arith.muli %add3A_754, %mul3A_755 : i32
      %dma_start3A_757 = arith.constant 1 : i32
      %dma_start3A_758 = arith.constant 0 : i32
      %dma_start3A_759 = arith.constant 0 : i32
      %dma_start3A_760 = tpu.memref_slice %arg6[%dma_start3A_757, %dma_start3A_758, %dma_start3A_759] : memref<5x128x128xf32, #tpu.memory_space<vmem>> -> memref<1x128x128xf32, #tpu.memory_space<vmem>>
      %dma_start3A_761 = tpu.memref_squeeze %dma_start3A_760 : memref<1x128x128xf32, #tpu.memory_space<vmem>> -> memref<128x128xf32, #tpu.memory_space<vmem>>
      %dma_start3A_762 = tpu.memref_slice %arg5[%mul3A_756] : memref<6400xi32, #tpu.memory_space<vmem>> -> memref<128xi32, #tpu.memory_space<vmem>>
      %dma_start3A_763 = arith.constant 0 : i32
      %dma_start3A_764 = arith.constant 0 : i32
      %dma_start3A_765 = tpu.memref_slice %arg7[%dma_start3A_763, %dma_start3A_764] : memref<1000x128xf32, #tpu.memory_space<vmem_shared>> -> memref<1000x128xf32, #tpu.memory_space<vmem_shared>>
      tpu.enqueue_indirect_dma source(%dma_start3A_765 : memref<1000x128xf32, #tpu.memory_space<vmem_shared>>) target(%dma_start3A_761 : memref<128x128xf32, #tpu.memory_space<vmem>>) offsets(%dma_start3A_762 : memref<128xi32, #tpu.memory_space<vmem>>) semaphore(%arg9 : memref<!tpu.dma_semaphore, #tpu.memory_space<semaphore_mem>>)
      %add3A_766 = arith.constant 4 : i32
      %add3A_767 = arith.addi %mul3A_510, %add3A_766 : i32
      %mul3A_768 = arith.constant 128 : i32
      %mul3A_769 = arith.muli %add3A_767, %mul3A_768 : i32
      %dma_wait3A_770 = arith.constant 4 : i32
      %dma_wait3A_771 = arith.constant 0 : i32
      %dma_wait3A_772 = arith.constant 0 : i32
      %dma_wait3A_773 = tpu.memref_slice %arg6[%dma_wait3A_770, %dma_wait3A_771, %dma_wait3A_772] : memref<5x128x128xf32, #tpu.memory_space<vmem>> -> memref<1x128x128xf32, #tpu.memory_space<vmem>>
      %dma_wait3A_774 = tpu.memref_squeeze %dma_wait3A_773 : memref<1x128x128xf32, #tpu.memory_space<vmem>> -> memref<128x128xf32, #tpu.memory_space<vmem>>
      %dma_wait3A_775 = tpu.memref_slice %arg5[%mul3A_769] : memref<6400xi32, #tpu.memory_space<vmem>> -> memref<128xi32, #tpu.memory_space<vmem>>
      %dma_wait3A_776 = arith.constant 0 : i32
      %dma_wait3A_777 = arith.constant 0 : i32
      %dma_wait3A_778 = tpu.memref_slice %arg7[%dma_wait3A_776, %dma_wait3A_777] : memref<1000x128xf32, #tpu.memory_space<vmem_shared>> -> memref<1000x128xf32, #tpu.memory_space<vmem_shared>>
      tpu.wait_indirect_dma semaphore(%arg12 : memref<!tpu.dma_semaphore, #tpu.memory_space<semaphore_mem>>) src(%dma_wait3A_778 : memref<1000x128xf32, #tpu.memory_space<vmem_shared>>) dst(%dma_wait3A_774 : memref<128x128xf32, #tpu.memory_space<vmem>>)
      %mul3A_779 = arith.constant 128 : i32
      %mul3A_780 = arith.muli %add3A_767, %mul3A_779 : i32
      %add3A_781 = arith.addi %mul3A_2, %mul3A_780 : i32
      %dma_start3A_782 = arith.constant 4 : i32
      %dma_start3A_783 = arith.constant 0 : i32
      %dma_start3A_784 = arith.constant 0 : i32
      %dma_start3A_785 = tpu.memref_slice %arg6[%dma_start3A_782, %dma_start3A_783, %dma_start3A_784] : memref<5x128x128xf32, #tpu.memory_space<vmem>> -> memref<1x128x128xf32, #tpu.memory_space<vmem>>
      %dma_start3A_786 = tpu.memref_squeeze %dma_start3A_785 : memref<1x128x128xf32, #tpu.memory_space<vmem>> -> memref<128x128xf32, #tpu.memory_space<vmem>>
      %dma_start3A_787 = arith.constant 0 : i32
      %dma_start3A_788 = tpu.memref_slice %arg4[%add3A_781, %dma_start3A_787] : memref<204800x128xf32, #tpu.memory_space<hbm>> -> memref<128x128xf32, #tpu.memory_space<hbm>>
      %dma_start3A_789 = arith.constant 0 : i32
      %dma_start3A_790 = tpu.memref_slice %arg4[%add3A_781, %dma_start3A_789] : memref<204800x128xf32, #tpu.memory_space<hbm>> -> memref<128x128xf32, #tpu.memory_space<hbm>>
      %dma_start3A_791 = arith.constant 0 : i32
      %dma_start3A_792 = arith.constant 0 : i32
      %dma_start3A_793 = tpu.memref_slice %arg6[%dma_start3A_782, %dma_start3A_791, %dma_start3A_792] : memref<5x128x128xf32, #tpu.memory_space<vmem>> -> memref<1x128x128xf32, #tpu.memory_space<vmem>>
      %dma_start3A_794 = tpu.memref_squeeze %dma_start3A_793 : memref<1x128x128xf32, #tpu.memory_space<vmem>> -> memref<128x128xf32, #tpu.memory_space<vmem>>
      tpu.enqueue_dma source(%dma_start3A_794 : memref<128x128xf32, #tpu.memory_space<vmem>>) target(%dma_start3A_790 : memref<128x128xf32, #tpu.memory_space<hbm>>) target_semaphore(%arg17 : memref<!tpu.dma_semaphore, #tpu.memory_space<semaphore_mem>>)
      %add3A_795 = arith.constant 4 : i32
      %add3A_796 = arith.addi %mul3A_510, %add3A_795 : i32
      %add3A_797 = arith.constant 3 : i32
      %add3A_798 = arith.addi %add3A_796, %add3A_797 : i32
      %sub3A_799 = arith.constant 5 : i32
      %sub3A_800 = arith.subi %add3A_798, %sub3A_799 : i32
      %mul3A_801 = arith.constant 128 : i32
      %mul3A_802 = arith.muli %sub3A_800, %mul3A_801 : i32
      %add3A_803 = arith.addi %mul3A_2, %mul3A_802 : i32
      %dma_wait3A_804 = arith.constant 2 : i32
      %dma_wait3A_805 = arith.constant 0 : i32
      %dma_wait3A_806 = arith.constant 0 : i32
      %dma_wait3A_807 = tpu.memref_slice %arg6[%dma_wait3A_804, %dma_wait3A_805, %dma_wait3A_806] : memref<5x128x128xf32, #tpu.memory_space<vmem>> -> memref<1x128x128xf32, #tpu.memory_space<vmem>>
      %dma_wait3A_808 = tpu.memref_squeeze %dma_wait3A_807 : memref<1x128x128xf32, #tpu.memory_space<vmem>> -> memref<128x128xf32, #tpu.memory_space<vmem>>
      %dma_wait3A_809 = arith.constant 0 : i32
      %dma_wait3A_810 = tpu.memref_slice %arg4[%add3A_803, %dma_wait3A_809] : memref<204800x128xf32, #tpu.memory_space<hbm>> -> memref<128x128xf32, #tpu.memory_space<hbm>>
      %dma_wait3A_811 = arith.constant 0 : i32
      %dma_wait3A_812 = tpu.memref_slice %arg4[%add3A_803, %dma_wait3A_811] : memref<204800x128xf32, #tpu.memory_space<hbm>> -> memref<128x128xf32, #tpu.memory_space<hbm>>
      %dma_wait3A_813 = arith.constant 0 : i32
      %dma_wait3A_814 = arith.constant 0 : i32
      %dma_wait3A_815 = tpu.memref_slice %arg6[%dma_wait3A_804, %dma_wait3A_813, %dma_wait3A_814] : memref<5x128x128xf32, #tpu.memory_space<vmem>> -> memref<1x128x128xf32, #tpu.memory_space<vmem>>
      %dma_wait3A_816 = tpu.memref_squeeze %dma_wait3A_815 : memref<1x128x128xf32, #tpu.memory_space<vmem>> -> memref<128x128xf32, #tpu.memory_space<vmem>>
      tpu.wait_dma2 semaphore(%arg15 : memref<!tpu.dma_semaphore, #tpu.memory_space<semaphore_mem>>) src(%dma_wait3A_816 : memref<128x128xf32, #tpu.memory_space<vmem>>) dst(%dma_wait3A_812 : memref<128x128xf32, #tpu.memory_space<hbm>>)
      %add3A_817 = arith.constant 3 : i32
      %add3A_818 = arith.addi %add3A_796, %add3A_817 : i32
      %mul3A_819 = arith.constant 128 : i32
      %mul3A_820 = arith.muli %add3A_818, %mul3A_819 : i32
      %dma_start3A_821 = arith.constant 2 : i32
      %dma_start3A_822 = arith.constant 0 : i32
      %dma_start3A_823 = arith.constant 0 : i32
      %dma_start3A_824 = tpu.memref_slice %arg6[%dma_start3A_821, %dma_start3A_822, %dma_start3A_823] : memref<5x128x128xf32, #tpu.memory_space<vmem>> -> memref<1x128x128xf32, #tpu.memory_space<vmem>>
      %dma_start3A_825 = tpu.memref_squeeze %dma_start3A_824 : memref<1x128x128xf32, #tpu.memory_space<vmem>> -> memref<128x128xf32, #tpu.memory_space<vmem>>
      %dma_start3A_826 = tpu.memref_slice %arg5[%mul3A_820] : memref<6400xi32, #tpu.memory_space<vmem>> -> memref<128xi32, #tpu.memory_space<vmem>>
      %dma_start3A_827 = arith.constant 0 : i32
      %dma_start3A_828 = arith.constant 0 : i32
      %dma_start3A_829 = tpu.memref_slice %arg7[%dma_start3A_827, %dma_start3A_828] : memref<1000x128xf32, #tpu.memory_space<vmem_shared>> -> memref<1000x128xf32, #tpu.memory_space<vmem_shared>>
      tpu.enqueue_indirect_dma source(%dma_start3A_829 : memref<1000x128xf32, #tpu.memory_space<vmem_shared>>) target(%dma_start3A_825 : memref<128x128xf32, #tpu.memory_space<vmem>>) offsets(%dma_start3A_826 : memref<128xi32, #tpu.memory_space<vmem>>) semaphore(%arg10 : memref<!tpu.dma_semaphore, #tpu.memory_space<semaphore_mem>>)
    }
    %scan3A_257 = arith.constant 8 : i32
    %dma_wait3A_258 = arith.constant 0 : i32
    %dma_wait3A_259 = arith.constant 0 : i32
    %dma_wait3A_260 = arith.constant 0 : i32
    %dma_wait3A_261 = tpu.memref_slice %arg6[%dma_wait3A_258, %dma_wait3A_259, %dma_wait3A_260] : memref<5x128x128xf32, #tpu.memory_space<vmem>> -> memref<1x128x128xf32, #tpu.memory_space<vmem>>
    %dma_wait3A_262 = tpu.memref_squeeze %dma_wait3A_261 : memref<1x128x128xf32, #tpu.memory_space<vmem>> -> memref<128x128xf32, #tpu.memory_space<vmem>>
    %dma_wait3A_263 = arith.constant 5760 : i32
    %dma_wait3A_264 = tpu.memref_slice %arg5[%dma_wait3A_263] : memref<6400xi32, #tpu.memory_space<vmem>> -> memref<128xi32, #tpu.memory_space<vmem>>
    %dma_wait3A_265 = arith.constant 0 : i32
    %dma_wait3A_266 = arith.constant 0 : i32
    %dma_wait3A_267 = tpu.memref_slice %arg7[%dma_wait3A_265, %dma_wait3A_266] : memref<1000x128xf32, #tpu.memory_space<vmem_shared>> -> memref<1000x128xf32, #tpu.memory_space<vmem_shared>>
    tpu.wait_indirect_dma semaphore(%arg8 : memref<!tpu.dma_semaphore, #tpu.memory_space<semaphore_mem>>) src(%dma_wait3A_267 : memref<1000x128xf32, #tpu.memory_space<vmem_shared>>) dst(%dma_wait3A_262 : memref<128x128xf32, #tpu.memory_space<vmem>>)
    %add3A_268 = arith.constant 5760 : i32
    %add3A_269 = arith.addi %mul3A_2, %add3A_268 : i32
    %dma_start3A_270 = arith.constant 0 : i32
    %dma_start3A_271 = arith.constant 0 : i32
    %dma_start3A_272 = arith.constant 0 : i32
    %dma_start3A_273 = tpu.memref_slice %arg6[%dma_start3A_270, %dma_start3A_271, %dma_start3A_272] : memref<5x128x128xf32, #tpu.memory_space<vmem>> -> memref<1x128x128xf32, #tpu.memory_space<vmem>>
    %dma_start3A_274 = tpu.memref_squeeze %dma_start3A_273 : memref<1x128x128xf32, #tpu.memory_space<vmem>> -> memref<128x128xf32, #tpu.memory_space<vmem>>
    %dma_start3A_275 = arith.constant 0 : i32
    %dma_start3A_276 = tpu.memref_slice %arg4[%add3A_269, %dma_start3A_275] : memref<204800x128xf32, #tpu.memory_space<hbm>> -> memref<128x128xf32, #tpu.memory_space<hbm>>
    %dma_start3A_277 = arith.constant 0 : i32
    %dma_start3A_278 = tpu.memref_slice %arg4[%add3A_269, %dma_start3A_277] : memref<204800x128xf32, #tpu.memory_space<hbm>> -> memref<128x128xf32, #tpu.memory_space<hbm>>
    %dma_start3A_279 = arith.constant 0 : i32
    %dma_start3A_280 = arith.constant 0 : i32
    %dma_start3A_281 = tpu.memref_slice %arg6[%dma_start3A_270, %dma_start3A_279, %dma_start3A_280] : memref<5x128x128xf32, #tpu.memory_space<vmem>> -> memref<1x128x128xf32, #tpu.memory_space<vmem>>
    %dma_start3A_282 = tpu.memref_squeeze %dma_start3A_281 : memref<1x128x128xf32, #tpu.memory_space<vmem>> -> memref<128x128xf32, #tpu.memory_space<vmem>>
    tpu.enqueue_dma source(%dma_start3A_282 : memref<128x128xf32, #tpu.memory_space<vmem>>) target(%dma_start3A_278 : memref<128x128xf32, #tpu.memory_space<hbm>>) target_semaphore(%arg13 : memref<!tpu.dma_semaphore, #tpu.memory_space<semaphore_mem>>)
    %add3A_283 = arith.constant 5504 : i32
    %add3A_284 = arith.addi %mul3A_2, %add3A_283 : i32
    %dma_wait3A_285 = arith.constant 3 : i32
    %dma_wait3A_286 = arith.constant 0 : i32
    %dma_wait3A_287 = arith.constant 0 : i32
    %dma_wait3A_288 = tpu.memref_slice %arg6[%dma_wait3A_285, %dma_wait3A_286, %dma_wait3A_287] : memref<5x128x128xf32, #tpu.memory_space<vmem>> -> memref<1x128x128xf32, #tpu.memory_space<vmem>>
    %dma_wait3A_289 = tpu.memref_squeeze %dma_wait3A_288 : memref<1x128x128xf32, #tpu.memory_space<vmem>> -> memref<128x128xf32, #tpu.memory_space<vmem>>
    %dma_wait3A_290 = arith.constant 0 : i32
    %dma_wait3A_291 = tpu.memref_slice %arg4[%add3A_284, %dma_wait3A_290] : memref<204800x128xf32, #tpu.memory_space<hbm>> -> memref<128x128xf32, #tpu.memory_space<hbm>>
    %dma_wait3A_292 = arith.constant 0 : i32
    %dma_wait3A_293 = tpu.memref_slice %arg4[%add3A_284, %dma_wait3A_292] : memref<204800x128xf32, #tpu.memory_space<hbm>> -> memref<128x128xf32, #tpu.memory_space<hbm>>
    %dma_wait3A_294 = arith.constant 0 : i32
    %dma_wait3A_295 = arith.constant 0 : i32
    %dma_wait3A_296 = tpu.memref_slice %arg6[%dma_wait3A_285, %dma_wait3A_294, %dma_wait3A_295] : memref<5x128x128xf32, #tpu.memory_space<vmem>> -> memref<1x128x128xf32, #tpu.memory_space<vmem>>
    %dma_wait3A_297 = tpu.memref_squeeze %dma_wait3A_296 : memref<1x128x128xf32, #tpu.memory_space<vmem>> -> memref<128x128xf32, #tpu.memory_space<vmem>>
    tpu.wait_dma2 semaphore(%arg16 : memref<!tpu.dma_semaphore, #tpu.memory_space<semaphore_mem>>) src(%dma_wait3A_297 : memref<128x128xf32, #tpu.memory_space<vmem>>) dst(%dma_wait3A_293 : memref<128x128xf32, #tpu.memory_space<hbm>>)
    %dma_start3A_298 = arith.constant 3 : i32
    %dma_start3A_299 = arith.constant 0 : i32
    %dma_start3A_300 = arith.constant 0 : i32
    %dma_start3A_301 = tpu.memref_slice %arg6[%dma_start3A_298, %dma_start3A_299, %dma_start3A_300] : memref<5x128x128xf32, #tpu.memory_space<vmem>> -> memref<1x128x128xf32, #tpu.memory_space<vmem>>
    %dma_start3A_302 = tpu.memref_squeeze %dma_start3A_301 : memref<1x128x128xf32, #tpu.memory_space<vmem>> -> memref<128x128xf32, #tpu.memory_space<vmem>>
    %dma_start3A_303 = arith.constant 6144 : i32
    %dma_start3A_304 = tpu.memref_slice %arg5[%dma_start3A_303] : memref<6400xi32, #tpu.memory_space<vmem>> -> memref<128xi32, #tpu.memory_space<vmem>>
    %dma_start3A_305 = arith.constant 0 : i32
    %dma_start3A_306 = arith.constant 0 : i32
    %dma_start3A_307 = tpu.memref_slice %arg7[%dma_start3A_305, %dma_start3A_306] : memref<1000x128xf32, #tpu.memory_space<vmem_shared>> -> memref<1000x128xf32, #tpu.memory_space<vmem_shared>>
    tpu.enqueue_indirect_dma source(%dma_start3A_307 : memref<1000x128xf32, #tpu.memory_space<vmem_shared>>) target(%dma_start3A_302 : memref<128x128xf32, #tpu.memory_space<vmem>>) offsets(%dma_start3A_304 : memref<128xi32, #tpu.memory_space<vmem>>) semaphore(%arg11 : memref<!tpu.dma_semaphore, #tpu.memory_space<semaphore_mem>>)
    %dma_wait3A_308 = arith.constant 1 : i32
    %dma_wait3A_309 = arith.constant 0 : i32
    %dma_wait3A_310 = arith.constant 0 : i32
    %dma_wait3A_311 = tpu.memref_slice %arg6[%dma_wait3A_308, %dma_wait3A_309, %dma_wait3A_310] : memref<5x128x128xf32, #tpu.memory_space<vmem>> -> memref<1x128x128xf32, #tpu.memory_space<vmem>>
    %dma_wait3A_312 = tpu.memref_squeeze %dma_wait3A_311 : memref<1x128x128xf32, #tpu.memory_space<vmem>> -> memref<128x128xf32, #tpu.memory_space<vmem>>
    %dma_wait3A_313 = arith.constant 5888 : i32
    %dma_wait3A_314 = tpu.memref_slice %arg5[%dma_wait3A_313] : memref<6400xi32, #tpu.memory_space<vmem>> -> memref<128xi32, #tpu.memory_space<vmem>>
    %dma_wait3A_315 = arith.constant 0 : i32
    %dma_wait3A_316 = arith.constant 0 : i32
    %dma_wait3A_317 = tpu.memref_slice %arg7[%dma_wait3A_315, %dma_wait3A_316] : memref<1000x128xf32, #tpu.memory_space<vmem_shared>> -> memref<1000x128xf32, #tpu.memory_space<vmem_shared>>
    tpu.wait_indirect_dma semaphore(%arg9 : memref<!tpu.dma_semaphore, #tpu.memory_space<semaphore_mem>>) src(%dma_wait3A_317 : memref<1000x128xf32, #tpu.memory_space<vmem_shared>>) dst(%dma_wait3A_312 : memref<128x128xf32, #tpu.memory_space<vmem>>)
    %add3A_318 = arith.constant 5888 : i32
    %add3A_319 = arith.addi %mul3A_2, %add3A_318 : i32
    %dma_start3A_320 = arith.constant 1 : i32
    %dma_start3A_321 = arith.constant 0 : i32
    %dma_start3A_322 = arith.constant 0 : i32
    %dma_start3A_323 = tpu.memref_slice %arg6[%dma_start3A_320, %dma_start3A_321, %dma_start3A_322] : memref<5x128x128xf32, #tpu.memory_space<vmem>> -> memref<1x128x128xf32, #tpu.memory_space<vmem>>
    %dma_start3A_324 = tpu.memref_squeeze %dma_start3A_323 : memref<1x128x128xf32, #tpu.memory_space<vmem>> -> memref<128x128xf32, #tpu.memory_space<vmem>>
    %dma_start3A_325 = arith.constant 0 : i32
    %dma_start3A_326 = tpu.memref_slice %arg4[%add3A_319, %dma_start3A_325] : memref<204800x128xf32, #tpu.memory_space<hbm>> -> memref<128x128xf32, #tpu.memory_space<hbm>>
    %dma_start3A_327 = arith.constant 0 : i32
    %dma_start3A_328 = tpu.memref_slice %arg4[%add3A_319, %dma_start3A_327] : memref<204800x128xf32, #tpu.memory_space<hbm>> -> memref<128x128xf32, #tpu.memory_space<hbm>>
    %dma_start3A_329 = arith.constant 0 : i32
    %dma_start3A_330 = arith.constant 0 : i32
    %dma_start3A_331 = tpu.memref_slice %arg6[%dma_start3A_320, %dma_start3A_329, %dma_start3A_330] : memref<5x128x128xf32, #tpu.memory_space<vmem>> -> memref<1x128x128xf32, #tpu.memory_space<vmem>>
    %dma_start3A_332 = tpu.memref_squeeze %dma_start3A_331 : memref<1x128x128xf32, #tpu.memory_space<vmem>> -> memref<128x128xf32, #tpu.memory_space<vmem>>
    tpu.enqueue_dma source(%dma_start3A_332 : memref<128x128xf32, #tpu.memory_space<vmem>>) target(%dma_start3A_328 : memref<128x128xf32, #tpu.memory_space<hbm>>) target_semaphore(%arg14 : memref<!tpu.dma_semaphore, #tpu.memory_space<semaphore_mem>>)
    %add3A_333 = arith.constant 5632 : i32
    %add3A_334 = arith.addi %mul3A_2, %add3A_333 : i32
    %dma_wait3A_335 = arith.constant 4 : i32
    %dma_wait3A_336 = arith.constant 0 : i32
    %dma_wait3A_337 = arith.constant 0 : i32
    %dma_wait3A_338 = tpu.memref_slice %arg6[%dma_wait3A_335, %dma_wait3A_336, %dma_wait3A_337] : memref<5x128x128xf32, #tpu.memory_space<vmem>> -> memref<1x128x128xf32, #tpu.memory_space<vmem>>
    %dma_wait3A_339 = tpu.memref_squeeze %dma_wait3A_338 : memref<1x128x128xf32, #tpu.memory_space<vmem>> -> memref<128x128xf32, #tpu.memory_space<vmem>>
    %dma_wait3A_340 = arith.constant 0 : i32
    %dma_wait3A_341 = tpu.memref_slice %arg4[%add3A_334, %dma_wait3A_340] : memref<204800x128xf32, #tpu.memory_space<hbm>> -> memref<128x128xf32, #tpu.memory_space<hbm>>
    %dma_wait3A_342 = arith.constant 0 : i32
    %dma_wait3A_343 = tpu.memref_slice %arg4[%add3A_334, %dma_wait3A_342] : memref<204800x128xf32, #tpu.memory_space<hbm>> -> memref<128x128xf32, #tpu.memory_space<hbm>>
    %dma_wait3A_344 = arith.constant 0 : i32
    %dma_wait3A_345 = arith.constant 0 : i32
    %dma_wait3A_346 = tpu.memref_slice %arg6[%dma_wait3A_335, %dma_wait3A_344, %dma_wait3A_345] : memref<5x128x128xf32, #tpu.memory_space<vmem>> -> memref<1x128x128xf32, #tpu.memory_space<vmem>>
    %dma_wait3A_347 = tpu.memref_squeeze %dma_wait3A_346 : memref<1x128x128xf32, #tpu.memory_space<vmem>> -> memref<128x128xf32, #tpu.memory_space<vmem>>
    tpu.wait_dma2 semaphore(%arg17 : memref<!tpu.dma_semaphore, #tpu.memory_space<semaphore_mem>>) src(%dma_wait3A_347 : memref<128x128xf32, #tpu.memory_space<vmem>>) dst(%dma_wait3A_343 : memref<128x128xf32, #tpu.memory_space<hbm>>)
    %dma_start3A_348 = arith.constant 4 : i32
    %dma_start3A_349 = arith.constant 0 : i32
    %dma_start3A_350 = arith.constant 0 : i32
    %dma_start3A_351 = tpu.memref_slice %arg6[%dma_start3A_348, %dma_start3A_349, %dma_start3A_350] : memref<5x128x128xf32, #tpu.memory_space<vmem>> -> memref<1x128x128xf32, #tpu.memory_space<vmem>>
    %dma_start3A_352 = tpu.memref_squeeze %dma_start3A_351 : memref<1x128x128xf32, #tpu.memory_space<vmem>> -> memref<128x128xf32, #tpu.memory_space<vmem>>
    %dma_start3A_353 = arith.constant 6272 : i32
    %dma_start3A_354 = tpu.memref_slice %arg5[%dma_start3A_353] : memref<6400xi32, #tpu.memory_space<vmem>> -> memref<128xi32, #tpu.memory_space<vmem>>
    %dma_start3A_355 = arith.constant 0 : i32
    %dma_start3A_356 = arith.constant 0 : i32
    %dma_start3A_357 = tpu.memref_slice %arg7[%dma_start3A_355, %dma_start3A_356] : memref<1000x128xf32, #tpu.memory_space<vmem_shared>> -> memref<1000x128xf32, #tpu.memory_space<vmem_shared>>
    tpu.enqueue_indirect_dma source(%dma_start3A_357 : memref<1000x128xf32, #tpu.memory_space<vmem_shared>>) target(%dma_start3A_352 : memref<128x128xf32, #tpu.memory_space<vmem>>) offsets(%dma_start3A_354 : memref<128xi32, #tpu.memory_space<vmem>>) semaphore(%arg12 : memref<!tpu.dma_semaphore, #tpu.memory_space<semaphore_mem>>)
    %dma_wait3A_358 = arith.constant 2 : i32
    %dma_wait3A_359 = arith.constant 0 : i32
    %dma_wait3A_360 = arith.constant 0 : i32
    %dma_wait3A_361 = tpu.memref_slice %arg6[%dma_wait3A_358, %dma_wait3A_359, %dma_wait3A_360] : memref<5x128x128xf32, #tpu.memory_space<vmem>> -> memref<1x128x128xf32, #tpu.memory_space<vmem>>
    %dma_wait3A_362 = tpu.memref_squeeze %dma_wait3A_361 : memref<1x128x128xf32, #tpu.memory_space<vmem>> -> memref<128x128xf32, #tpu.memory_space<vmem>>
    %dma_wait3A_363 = arith.constant 6016 : i32
    %dma_wait3A_364 = tpu.memref_slice %arg5[%dma_wait3A_363] : memref<6400xi32, #tpu.memory_space<vmem>> -> memref<128xi32, #tpu.memory_space<vmem>>
    %dma_wait3A_365 = arith.constant 0 : i32
    %dma_wait3A_366 = arith.constant 0 : i32
    %dma_wait3A_367 = tpu.memref_slice %arg7[%dma_wait3A_365, %dma_wait3A_366] : memref<1000x128xf32, #tpu.memory_space<vmem_shared>> -> memref<1000x128xf32, #tpu.memory_space<vmem_shared>>
    tpu.wait_indirect_dma semaphore(%arg10 : memref<!tpu.dma_semaphore, #tpu.memory_space<semaphore_mem>>) src(%dma_wait3A_367 : memref<1000x128xf32, #tpu.memory_space<vmem_shared>>) dst(%dma_wait3A_362 : memref<128x128xf32, #tpu.memory_space<vmem>>)
    %add3A_368 = arith.constant 6016 : i32
    %add3A_369 = arith.addi %mul3A_2, %add3A_368 : i32
    %dma_start3A_370 = arith.constant 2 : i32
    %dma_start3A_371 = arith.constant 0 : i32
    %dma_start3A_372 = arith.constant 0 : i32
    %dma_start3A_373 = tpu.memref_slice %arg6[%dma_start3A_370, %dma_start3A_371, %dma_start3A_372] : memref<5x128x128xf32, #tpu.memory_space<vmem>> -> memref<1x128x128xf32, #tpu.memory_space<vmem>>
    %dma_start3A_374 = tpu.memref_squeeze %dma_start3A_373 : memref<1x128x128xf32, #tpu.memory_space<vmem>> -> memref<128x128xf32, #tpu.memory_space<vmem>>
    %dma_start3A_375 = arith.constant 0 : i32
    %dma_start3A_376 = tpu.memref_slice %arg4[%add3A_369, %dma_start3A_375] : memref<204800x128xf32, #tpu.memory_space<hbm>> -> memref<128x128xf32, #tpu.memory_space<hbm>>
    %dma_start3A_377 = arith.constant 0 : i32
    %dma_start3A_378 = tpu.memref_slice %arg4[%add3A_369, %dma_start3A_377] : memref<204800x128xf32, #tpu.memory_space<hbm>> -> memref<128x128xf32, #tpu.memory_space<hbm>>
    %dma_start3A_379 = arith.constant 0 : i32
    %dma_start3A_380 = arith.constant 0 : i32
    %dma_start3A_381 = tpu.memref_slice %arg6[%dma_start3A_370, %dma_start3A_379, %dma_start3A_380] : memref<5x128x128xf32, #tpu.memory_space<vmem>> -> memref<1x128x128xf32, #tpu.memory_space<vmem>>
    %dma_start3A_382 = tpu.memref_squeeze %dma_start3A_381 : memref<1x128x128xf32, #tpu.memory_space<vmem>> -> memref<128x128xf32, #tpu.memory_space<vmem>>
    tpu.enqueue_dma source(%dma_start3A_382 : memref<128x128xf32, #tpu.memory_space<vmem>>) target(%dma_start3A_378 : memref<128x128xf32, #tpu.memory_space<hbm>>) target_semaphore(%arg15 : memref<!tpu.dma_semaphore, #tpu.memory_space<semaphore_mem>>)
    %dma_wait3A_383 = arith.constant 3 : i32
    %dma_wait3A_384 = arith.constant 0 : i32
    %dma_wait3A_385 = arith.constant 0 : i32
    %dma_wait3A_386 = tpu.memref_slice %arg6[%dma_wait3A_383, %dma_wait3A_384, %dma_wait3A_385] : memref<5x128x128xf32, #tpu.memory_space<vmem>> -> memref<1x128x128xf32, #tpu.memory_space<vmem>>
    %dma_wait3A_387 = tpu.memref_squeeze %dma_wait3A_386 : memref<1x128x128xf32, #tpu.memory_space<vmem>> -> memref<128x128xf32, #tpu.memory_space<vmem>>
    %dma_wait3A_388 = arith.constant 6144 : i32
    %dma_wait3A_389 = tpu.memref_slice %arg5[%dma_wait3A_388] : memref<6400xi32, #tpu.memory_space<vmem>> -> memref<128xi32, #tpu.memory_space<vmem>>
    %dma_wait3A_390 = arith.constant 0 : i32
    %dma_wait3A_391 = arith.constant 0 : i32
    %dma_wait3A_392 = tpu.memref_slice %arg7[%dma_wait3A_390, %dma_wait3A_391] : memref<1000x128xf32, #tpu.memory_space<vmem_shared>> -> memref<1000x128xf32, #tpu.memory_space<vmem_shared>>
    tpu.wait_indirect_dma semaphore(%arg11 : memref<!tpu.dma_semaphore, #tpu.memory_space<semaphore_mem>>) src(%dma_wait3A_392 : memref<1000x128xf32, #tpu.memory_space<vmem_shared>>) dst(%dma_wait3A_387 : memref<128x128xf32, #tpu.memory_space<vmem>>)
    %add3A_393 = arith.constant 6144 : i32
    %add3A_394 = arith.addi %mul3A_2, %add3A_393 : i32
    %dma_start3A_395 = arith.constant 3 : i32
    %dma_start3A_396 = arith.constant 0 : i32
    %dma_start3A_397 = arith.constant 0 : i32
    %dma_start3A_398 = tpu.memref_slice %arg6[%dma_start3A_395, %dma_start3A_396, %dma_start3A_397] : memref<5x128x128xf32, #tpu.memory_space<vmem>> -> memref<1x128x128xf32, #tpu.memory_space<vmem>>
    %dma_start3A_399 = tpu.memref_squeeze %dma_start3A_398 : memref<1x128x128xf32, #tpu.memory_space<vmem>> -> memref<128x128xf32, #tpu.memory_space<vmem>>
    %dma_start3A_400 = arith.constant 0 : i32
    %dma_start3A_401 = tpu.memref_slice %arg4[%add3A_394, %dma_start3A_400] : memref<204800x128xf32, #tpu.memory_space<hbm>> -> memref<128x128xf32, #tpu.memory_space<hbm>>
    %dma_start3A_402 = arith.constant 0 : i32
    %dma_start3A_403 = tpu.memref_slice %arg4[%add3A_394, %dma_start3A_402] : memref<204800x128xf32, #tpu.memory_space<hbm>> -> memref<128x128xf32, #tpu.memory_space<hbm>>
    %dma_start3A_404 = arith.constant 0 : i32
    %dma_start3A_405 = arith.constant 0 : i32
    %dma_start3A_406 = tpu.memref_slice %arg6[%dma_start3A_395, %dma_start3A_404, %dma_start3A_405] : memref<5x128x128xf32, #tpu.memory_space<vmem>> -> memref<1x128x128xf32, #tpu.memory_space<vmem>>
    %dma_start3A_407 = tpu.memref_squeeze %dma_start3A_406 : memref<1x128x128xf32, #tpu.memory_space<vmem>> -> memref<128x128xf32, #tpu.memory_space<vmem>>
    tpu.enqueue_dma source(%dma_start3A_407 : memref<128x128xf32, #tpu.memory_space<vmem>>) target(%dma_start3A_403 : memref<128x128xf32, #tpu.memory_space<hbm>>) target_semaphore(%arg16 : memref<!tpu.dma_semaphore, #tpu.memory_space<semaphore_mem>>)
    %dma_wait3A_408 = arith.constant 4 : i32
    %dma_wait3A_409 = arith.constant 0 : i32
    %dma_wait3A_410 = arith.constant 0 : i32
    %dma_wait3A_411 = tpu.memref_slice %arg6[%dma_wait3A_408, %dma_wait3A_409, %dma_wait3A_410] : memref<5x128x128xf32, #tpu.memory_space<vmem>> -> memref<1x128x128xf32, #tpu.memory_space<vmem>>
    %dma_wait3A_412 = tpu.memref_squeeze %dma_wait3A_411 : memref<1x128x128xf32, #tpu.memory_space<vmem>> -> memref<128x128xf32, #tpu.memory_space<vmem>>
    %dma_wait3A_413 = arith.constant 6272 : i32
    %dma_wait3A_414 = tpu.memref_slice %arg5[%dma_wait3A_413] : memref<6400xi32, #tpu.memory_space<vmem>> -> memref<128xi32, #tpu.memory_space<vmem>>
    %dma_wait3A_415 = arith.constant 0 : i32
    %dma_wait3A_416 = arith.constant 0 : i32
    %dma_wait3A_417 = tpu.memref_slice %arg7[%dma_wait3A_415, %dma_wait3A_416] : memref<1000x128xf32, #tpu.memory_space<vmem_shared>> -> memref<1000x128xf32, #tpu.memory_space<vmem_shared>>
    tpu.wait_indirect_dma semaphore(%arg12 : memref<!tpu.dma_semaphore, #tpu.memory_space<semaphore_mem>>) src(%dma_wait3A_417 : memref<1000x128xf32, #tpu.memory_space<vmem_shared>>) dst(%dma_wait3A_412 : memref<128x128xf32, #tpu.memory_space<vmem>>)
    %add3A_418 = arith.constant 6272 : i32
    %add3A_419 = arith.addi %mul3A_2, %add3A_418 : i32
    %dma_start3A_420 = arith.constant 4 : i32
    %dma_start3A_421 = arith.constant 0 : i32
    %dma_start3A_422 = arith.constant 0 : i32
    %dma_start3A_423 = tpu.memref_slice %arg6[%dma_start3A_420, %dma_start3A_421, %dma_start3A_422] : memref<5x128x128xf32, #tpu.memory_space<vmem>> -> memref<1x128x128xf32, #tpu.memory_space<vmem>>
    %dma_start3A_424 = tpu.memref_squeeze %dma_start3A_423 : memref<1x128x128xf32, #tpu.memory_space<vmem>> -> memref<128x128xf32, #tpu.memory_space<vmem>>
    %dma_start3A_425 = arith.constant 0 : i32
    %dma_start3A_426 = tpu.memref_slice %arg4[%add3A_419, %dma_start3A_425] : memref<204800x128xf32, #tpu.memory_space<hbm>> -> memref<128x128xf32, #tpu.memory_space<hbm>>
    %dma_start3A_427 = arith.constant 0 : i32
    %dma_start3A_428 = tpu.memref_slice %arg4[%add3A_419, %dma_start3A_427] : memref<204800x128xf32, #tpu.memory_space<hbm>> -> memref<128x128xf32, #tpu.memory_space<hbm>>
    %dma_start3A_429 = arith.constant 0 : i32
    %dma_start3A_430 = arith.constant 0 : i32
    %dma_start3A_431 = tpu.memref_slice %arg6[%dma_start3A_420, %dma_start3A_429, %dma_start3A_430] : memref<5x128x128xf32, #tpu.memory_space<vmem>> -> memref<1x128x128xf32, #tpu.memory_space<vmem>>
    %dma_start3A_432 = tpu.memref_squeeze %dma_start3A_431 : memref<1x128x128xf32, #tpu.memory_space<vmem>> -> memref<128x128xf32, #tpu.memory_space<vmem>>
    tpu.enqueue_dma source(%dma_start3A_432 : memref<128x128xf32, #tpu.memory_space<vmem>>) target(%dma_start3A_428 : memref<128x128xf32, #tpu.memory_space<hbm>>) target_semaphore(%arg17 : memref<!tpu.dma_semaphore, #tpu.memory_space<semaphore_mem>>)
    %add3A_433 = arith.constant 5760 : i32
    %add3A_434 = arith.addi %mul3A_2, %add3A_433 : i32
    %dma_wait3A_435 = arith.constant 0 : i32
    %dma_wait3A_436 = arith.constant 0 : i32
    %dma_wait3A_437 = arith.constant 0 : i32
    %dma_wait3A_438 = tpu.memref_slice %arg6[%dma_wait3A_435, %dma_wait3A_436, %dma_wait3A_437] : memref<5x128x128xf32, #tpu.memory_space<vmem>> -> memref<1x128x128xf32, #tpu.memory_space<vmem>>
    %dma_wait3A_439 = tpu.memref_squeeze %dma_wait3A_438 : memref<1x128x128xf32, #tpu.memory_space<vmem>> -> memref<128x128xf32, #tpu.memory_space<vmem>>
    %dma_wait3A_440 = arith.constant 0 : i32
    %dma_wait3A_441 = tpu.memref_slice %arg4[%add3A_434, %dma_wait3A_440] : memref<204800x128xf32, #tpu.memory_space<hbm>> -> memref<128x128xf32, #tpu.memory_space<hbm>>
    %dma_wait3A_442 = arith.constant 0 : i32
    %dma_wait3A_443 = tpu.memref_slice %arg4[%add3A_434, %dma_wait3A_442] : memref<204800x128xf32, #tpu.memory_space<hbm>> -> memref<128x128xf32, #tpu.memory_space<hbm>>
    %dma_wait3A_444 = arith.constant 0 : i32
    %dma_wait3A_445 = arith.constant 0 : i32
    %dma_wait3A_446 = tpu.memref_slice %arg6[%dma_wait3A_435, %dma_wait3A_444, %dma_wait3A_445] : memref<5x128x128xf32, #tpu.memory_space<vmem>> -> memref<1x128x128xf32, #tpu.memory_space<vmem>>
    %dma_wait3A_447 = tpu.memref_squeeze %dma_wait3A_446 : memref<1x128x128xf32, #tpu.memory_space<vmem>> -> memref<128x128xf32, #tpu.memory_space<vmem>>
    tpu.wait_dma2 semaphore(%arg13 : memref<!tpu.dma_semaphore, #tpu.memory_space<semaphore_mem>>) src(%dma_wait3A_447 : memref<128x128xf32, #tpu.memory_space<vmem>>) dst(%dma_wait3A_443 : memref<128x128xf32, #tpu.memory_space<hbm>>)
    %add3A_448 = arith.constant 5888 : i32
    %add3A_449 = arith.addi %mul3A_2, %add3A_448 : i32
    %dma_wait3A_450 = arith.constant 1 : i32
    %dma_wait3A_451 = arith.constant 0 : i32
    %dma_wait3A_452 = arith.constant 0 : i32
    %dma_wait3A_453 = tpu.memref_slice %arg6[%dma_wait3A_450, %dma_wait3A_451, %dma_wait3A_452] : memref<5x128x128xf32, #tpu.memory_space<vmem>> -> memref<1x128x128xf32, #tpu.memory_space<vmem>>
    %dma_wait3A_454 = tpu.memref_squeeze %dma_wait3A_453 : memref<1x128x128xf32, #tpu.memory_space<vmem>> -> memref<128x128xf32, #tpu.memory_space<vmem>>
    %dma_wait3A_455 = arith.constant 0 : i32
    %dma_wait3A_456 = tpu.memref_slice %arg4[%add3A_449, %dma_wait3A_455] : memref<204800x128xf32, #tpu.memory_space<hbm>> -> memref<128x128xf32, #tpu.memory_space<hbm>>
    %dma_wait3A_457 = arith.constant 0 : i32
    %dma_wait3A_458 = tpu.memref_slice %arg4[%add3A_449, %dma_wait3A_457] : memref<204800x128xf32, #tpu.memory_space<hbm>> -> memref<128x128xf32, #tpu.memory_space<hbm>>
    %dma_wait3A_459 = arith.constant 0 : i32
    %dma_wait3A_460 = arith.constant 0 : i32
    %dma_wait3A_461 = tpu.memref_slice %arg6[%dma_wait3A_450, %dma_wait3A_459, %dma_wait3A_460] : memref<5x128x128xf32, #tpu.memory_space<vmem>> -> memref<1x128x128xf32, #tpu.memory_space<vmem>>
    %dma_wait3A_462 = tpu.memref_squeeze %dma_wait3A_461 : memref<1x128x128xf32, #tpu.memory_space<vmem>> -> memref<128x128xf32, #tpu.memory_space<vmem>>
    tpu.wait_dma2 semaphore(%arg14 : memref<!tpu.dma_semaphore, #tpu.memory_space<semaphore_mem>>) src(%dma_wait3A_462 : memref<128x128xf32, #tpu.memory_space<vmem>>) dst(%dma_wait3A_458 : memref<128x128xf32, #tpu.memory_space<hbm>>)
    %add3A_463 = arith.constant 6016 : i32
    %add3A_464 = arith.addi %mul3A_2, %add3A_463 : i32
    %dma_wait3A_465 = arith.constant 2 : i32
    %dma_wait3A_466 = arith.constant 0 : i32
    %dma_wait3A_467 = arith.constant 0 : i32
    %dma_wait3A_468 = tpu.memref_slice %arg6[%dma_wait3A_465, %dma_wait3A_466, %dma_wait3A_467] : memref<5x128x128xf32, #tpu.memory_space<vmem>> -> memref<1x128x128xf32, #tpu.memory_space<vmem>>
    %dma_wait3A_469 = tpu.memref_squeeze %dma_wait3A_468 : memref<1x128x128xf32, #tpu.memory_space<vmem>> -> memref<128x128xf32, #tpu.memory_space<vmem>>
    %dma_wait3A_470 = arith.constant 0 : i32
    %dma_wait3A_471 = tpu.memref_slice %arg4[%add3A_464, %dma_wait3A_470] : memref<204800x128xf32, #tpu.memory_space<hbm>> -> memref<128x128xf32, #tpu.memory_space<hbm>>
    %dma_wait3A_472 = arith.constant 0 : i32
    %dma_wait3A_473 = tpu.memref_slice %arg4[%add3A_464, %dma_wait3A_472] : memref<204800x128xf32, #tpu.memory_space<hbm>> -> memref<128x128xf32, #tpu.memory_space<hbm>>
    %dma_wait3A_474 = arith.constant 0 : i32
    %dma_wait3A_475 = arith.constant 0 : i32
    %dma_wait3A_476 = tpu.memref_slice %arg6[%dma_wait3A_465, %dma_wait3A_474, %dma_wait3A_475] : memref<5x128x128xf32, #tpu.memory_space<vmem>> -> memref<1x128x128xf32, #tpu.memory_space<vmem>>
    %dma_wait3A_477 = tpu.memref_squeeze %dma_wait3A_476 : memref<1x128x128xf32, #tpu.memory_space<vmem>> -> memref<128x128xf32, #tpu.memory_space<vmem>>
    tpu.wait_dma2 semaphore(%arg15 : memref<!tpu.dma_semaphore, #tpu.memory_space<semaphore_mem>>) src(%dma_wait3A_477 : memref<128x128xf32, #tpu.memory_space<vmem>>) dst(%dma_wait3A_473 : memref<128x128xf32, #tpu.memory_space<hbm>>)
    %add3A_478 = arith.constant 6144 : i32
    %add3A_479 = arith.addi %mul3A_2, %add3A_478 : i32
    %dma_wait3A_480 = arith.constant 3 : i32
    %dma_wait3A_481 = arith.constant 0 : i32
    %dma_wait3A_482 = arith.constant 0 : i32
    %dma_wait3A_483 = tpu.memref_slice %arg6[%dma_wait3A_480, %dma_wait3A_481, %dma_wait3A_482] : memref<5x128x128xf32, #tpu.memory_space<vmem>> -> memref<1x128x128xf32, #tpu.memory_space<vmem>>
    %dma_wait3A_484 = tpu.memref_squeeze %dma_wait3A_483 : memref<1x128x128xf32, #tpu.memory_space<vmem>> -> memref<128x128xf32, #tpu.memory_space<vmem>>
    %dma_wait3A_485 = arith.constant 0 : i32
    %dma_wait3A_486 = tpu.memref_slice %arg4[%add3A_479, %dma_wait3A_485] : memref<204800x128xf32, #tpu.memory_space<hbm>> -> memref<128x128xf32, #tpu.memory_space<hbm>>
    %dma_wait3A_487 = arith.constant 0 : i32
    %dma_wait3A_488 = tpu.memref_slice %arg4[%add3A_479, %dma_wait3A_487] : memref<204800x128xf32, #tpu.memory_space<hbm>> -> memref<128x128xf32, #tpu.memory_space<hbm>>
    %dma_wait3A_489 = arith.constant 0 : i32
    %dma_wait3A_490 = arith.constant 0 : i32
    %dma_wait3A_491 = tpu.memref_slice %arg6[%dma_wait3A_480, %dma_wait3A_489, %dma_wait3A_490] : memref<5x128x128xf32, #tpu.memory_space<vmem>> -> memref<1x128x128xf32, #tpu.memory_space<vmem>>
    %dma_wait3A_492 = tpu.memref_squeeze %dma_wait3A_491 : memref<1x128x128xf32, #tpu.memory_space<vmem>> -> memref<128x128xf32, #tpu.memory_space<vmem>>
    tpu.wait_dma2 semaphore(%arg16 : memref<!tpu.dma_semaphore, #tpu.memory_space<semaphore_mem>>) src(%dma_wait3A_492 : memref<128x128xf32, #tpu.memory_space<vmem>>) dst(%dma_wait3A_488 : memref<128x128xf32, #tpu.memory_space<hbm>>)
    %add3A_493 = arith.constant 6272 : i32
    %add3A_494 = arith.addi %mul3A_2, %add3A_493 : i32
    %dma_wait3A_495 = arith.constant 4 : i32
    %dma_wait3A_496 = arith.constant 0 : i32
    %dma_wait3A_497 = arith.constant 0 : i32
    %dma_wait3A_498 = tpu.memref_slice %arg6[%dma_wait3A_495, %dma_wait3A_496, %dma_wait3A_497] : memref<5x128x128xf32, #tpu.memory_space<vmem>> -> memref<1x128x128xf32, #tpu.memory_space<vmem>>
    %dma_wait3A_499 = tpu.memref_squeeze %dma_wait3A_498 : memref<1x128x128xf32, #tpu.memory_space<vmem>> -> memref<128x128xf32, #tpu.memory_space<vmem>>
    %dma_wait3A_500 = arith.constant 0 : i32
    %dma_wait3A_501 = tpu.memref_slice %arg4[%add3A_494, %dma_wait3A_500] : memref<204800x128xf32, #tpu.memory_space<hbm>> -> memref<128x128xf32, #tpu.memory_space<hbm>>
    %dma_wait3A_502 = arith.constant 0 : i32
    %dma_wait3A_503 = tpu.memref_slice %arg4[%add3A_494, %dma_wait3A_502] : memref<204800x128xf32, #tpu.memory_space<hbm>> -> memref<128x128xf32, #tpu.memory_space<hbm>>
    %dma_wait3A_504 = arith.constant 0 : i32
    %dma_wait3A_505 = arith.constant 0 : i32
    %dma_wait3A_506 = tpu.memref_slice %arg6[%dma_wait3A_495, %dma_wait3A_504, %dma_wait3A_505] : memref<5x128x128xf32, #tpu.memory_space<vmem>> -> memref<1x128x128xf32, #tpu.memory_space<vmem>>
    %dma_wait3A_507 = tpu.memref_squeeze %dma_wait3A_506 : memref<1x128x128xf32, #tpu.memory_space<vmem>> -> memref<128x128xf32, #tpu.memory_space<vmem>>
    tpu.wait_dma2 semaphore(%arg17 : memref<!tpu.dma_semaphore, #tpu.memory_space<semaphore_mem>>) src(%dma_wait3A_507 : memref<128x128xf32, #tpu.memory_space<vmem>>) dst(%dma_wait3A_503 : memref<128x128xf32, #tpu.memory_space<hbm>>)
    return
  }
}

</mosaic_0001>

<sc_bundles>
// kernel: kernel.3.cloned.1.call-start
scs
__scs_entry_jumppad:
0x0: {  	(pc) =	sbr.rel $0x88, $3  }
0x1: {  	(tag) =	ssettag $0x0;
	lr =	simm.s32 $0x1  }
0x2: {  	[smem:$0x3F9F] =	sst lr;
	_ =	strace $0xD0000000  }
0x3: {  	_ = 	snop  }
0x4: {  	_ = 	snop  }
0x5: {  	_ = 	snop  }
0x6: {  	_ = 	snop  }
0x7: {  	_ = 	snop  }
__scs_overlays_trampoline_lowered:
0x8: {  	[smem:$0x3FAE] =	sst s0  }
0x9: {  	[smem:$0x3FAF] =	sst s1  }
0xa: {  	[smem:$0x3FB0] =	sst s2  }
0xb: {  	[smem:$0x3FB1] =	sst s3  }
0xc: {  	[smem:$0x3FB2] =	sst s4  }
0xd: {  	[smem:$0x3FB3] =	sst s5  }
0xe: {  	[smem:$0x3FB4] =	sst s6  }
0xf: {  	[smem:$0x3FB5] =	sst s7  }
0x10: {  	[smem:$0x3FB6] =	sst s8  }
0x11: {  	[smem:$0x3FB7] =	sst s9;
	s0 =	simm.s32 @!p0 $0x0  }
0x12: {  	s1 =	sld [smem:$0x3F9D];
	s0 =	simm.s32 @p0 $0x1  }
0x13: {  	[smem:$0x3FB8] =	sst s0;
	s0 =	simm.s32 @!p1 $0x0  }
0x14: {  	s2 =	sld [smem:$0x3F9C];
	s0 =	simm.s32 @p1 $0x1  }
0x15: {  	[smem:$0x3FB9] =	sst s0;
	s0 =	simm.s32 @!p2 $0x0  }
0x16: {  	s3 =	sld [smem:$0x3FDB];
	s0 =	simm.s32 @p2 $0x1  }
0x17: {  	s4 =	simm.s32 $0x1BF5;
	[smem:$0x3FBB] =	sst s0  }
0x18: {  	s0 =	sld [smem:$0x3F9E];
	_ =	swait.ge [sflag:s4], $0x0  }
0x19: {  	s7 =	sld [smem:$0x3F9F]  }
0x1a: {  	s8 =	sadd.s32 $0xFFFFE003, lr  }
0x1b: {  	s9 =	sadd.s32 $0xFFFFFEF7, lr;
	s5 =	simm.s32 $0xFFFFFFFF;
	p2 =	slt.u32 s8, $0xFFFFF086  }
0x1c: {  	p1 =	slt.u32 s9, $0xF7A;
	s5 =	simm.s32 @!p2 $0x0  }
0x1d: {  	s5 =	simm.s32 @p1 $0x1;
	p0 =	seq.s32 s7, s2  }
0x1e: {  	s7 =	smul.u32 @!p0 $0xF7A, s2;
	p2 =	seq.s32 @!p0 s5, $0x0  }
0x1f: {  	s9 =	smul.u32 $0xF7A, s1;
	s8 =	simm.s32 @!p0 $0x1BF5;
	p2 =	por !p2, p0  }
0x20: {  	[sflag:s8] =	ssyncset.s32 @!p0 $0xFFFFF086;
	s6 =	sadd.s32 @!p0 s3, s7;
	s7 =	simm.s32 @!p0 $0x108  }
0x21: {  	s3 =	sadd.s32 s3, s9;
	s6 =	sadd.s32 @!p0 $0x88, s6;
	s7 =	simm.s32 @p2 $0x1082  }
0x22: {  	[simem:s7], [sflag:s8] =	dma.local @!p0 [hbm:s6], $0xF7A  }
0x23: {  	s9 =	sor.u32 $0xD0000000, s2;
	s6 =	simm.s32 $0x108;
	_ =	swait.ge @!p0 [sflag:s8], $0x0  }
0x24: {  	s3 =	sadd.s32 $0x88, s3;
	s6 =	simm.s32 @!p1 $0x1082;
	[sflag:s4] =	ssyncset.s32 $0xFFFFF086  }
0x25: {  	[simem:s6], [sflag:s4] =	dma.local [hbm:s3], $0xF7A  }
0x26: {  	[smem:$0x3F9F] =	sst s1;
	(tag) =	ssettag s2;
	_ =	strace s9  }
0x27: {  	s1 =	sld [smem:$0x3FAF]  }
0x28: {  	s2 =	sld [smem:$0x3FB0]  }
0x29: {  	s4 =	sld [smem:$0x3FB2]  }
0x2a: {  	p0 =	seq.s32 s5, $0x0;
	s5 =	sld [smem:$0x3FB3]  }
0x2b: {  	s6 =	sld [smem:$0x3FB4]  }
0x2c: {  	s7 =	sld [smem:$0x3FB5]  }
0x2d: {  	s3 =	simm.s32 $0x108;
	s8 =	sld [smem:$0x3FB6]  }
0x2e: {  	s3 =	simm.s32 @!p0 $0x1082;
	s9 =	sld [smem:$0x3FB7]  }
0x2f: {  	lr =	sadd.s32 s0, s3;
	s0 =	sld [smem:$0x3FAE]  }
0x30: {  	s3 =	sld [smem:$0x3FB1]  }
0x31: {  	[smem:$0x3FBA] =	sst s10  }
0x32: {  	s10 =	sld [smem:$0x3FB8];
	_ =	sdelay $0x3  }
0x33: {  	p0 =	seq.s32 s10, $0x1;
	s10 =	sld [smem:$0x3FBA];
	_ =	sdelay $0x3  }
0x34: {  	[smem:$0x3FBA] =	sst s10  }
0x35: {  	s10 =	sld [smem:$0x3FB9];
	_ =	sdelay $0x3  }
0x36: {  	p1 =	seq.s32 s10, $0x1;
	s10 =	sld [smem:$0x3FBA];
	_ =	sdelay $0x3  }
0x37: {  	[smem:$0x3FBA] =	sst s10  }
0x38: {  	s10 =	sld [smem:$0x3FBB]  }
0x39: {  	_ = 	snop;
	(pc) =	sbr.ind lr, $3  }
0x3a: {  	_ = 	snop  }
0x3b: {  	_ = 	snop  }
0x3c: {  	p2 =	seq.s32 s10, $0x1;
	s10 =	sld [smem:$0x3FBA]  }
0x3d: {  	_ =	shalt  }
0x3e: {  	_ =	shalt  }
0x3f: {  	_ =	shalt  }
0x40: {  	_ =	shalt  }
0x41: {  	_ =	shalt  }
0x42: {  	_ =	shalt  }
0x43: {  	_ =	shalt  }
0x44: {  	_ =	shalt  }
0x45: {  	_ =	shalt  }
0x46: {  	_ =	shalt  }
0x47: {  	_ =	shalt  }
0x48: {  	_ =	shalt  }
0x49: {  	_ =	shalt  }
0x4a: {  	_ =	shalt  }
0x4b: {  	_ =	shalt  }
0x4c: {  	_ =	shalt  }
0x4d: {  	_ =	shalt  }
0x4e: {  	_ =	shalt  }
0x4f: {  	_ =	shalt  }
0x50: {  	_ =	shalt  }
0x51: {  	_ =	shalt  }
0x52: {  	_ =	shalt  }
0x53: {  	_ =	shalt  }
0x54: {  	_ =	shalt  }
0x55: {  	_ =	shalt  }
0x56: {  	_ =	shalt  }
0x57: {  	_ =	shalt  }
0x58: {  	_ =	shalt  }
0x59: {  	_ =	shalt  }
0x5a: {  	_ =	shalt  }
0x5b: {  	_ =	shalt  }
0x5c: {  	_ =	shalt  }
0x5d: {  	_ =	shalt  }
0x5e: {  	_ =	shalt  }
0x5f: {  	_ =	shalt  }
0x60: {  	_ =	shalt  }
0x61: {  	_ =	shalt  }
0x62: {  	_ =	shalt  }
0x63: {  	_ =	shalt  }
0x64: {  	_ =	shalt  }
0x65: {  	_ =	shalt  }
0x66: {  	_ =	shalt  }
0x67: {  	_ =	shalt  }
0x68: {  	_ =	shalt  }
0x69: {  	_ =	shalt  }
0x6a: {  	_ =	shalt  }
0x6b: {  	_ =	shalt  }
0x6c: {  	_ =	shalt  }
0x6d: {  	_ =	shalt  }
0x6e: {  	_ =	shalt  }
0x6f: {  	_ =	shalt  }
0x70: {  	_ =	shalt  }
0x71: {  	_ =	shalt  }
0x72: {  	_ =	shalt  }
0x73: {  	_ =	shalt  }
0x74: {  	_ =	shalt  }
0x75: {  	_ =	shalt  }
0x76: {  	_ =	shalt  }
0x77: {  	_ =	shalt  }
0x78: {  	_ =	shalt  }
0x79: {  	_ =	shalt  }
0x7a: {  	_ =	shalt  }
0x7b: {  	_ =	shalt  }
0x7c: {  	_ =	shalt  }
0x7d: {  	_ =	shalt  }
0x7e: {  	_ =	shalt  }
0x7f: {  	_ =	shalt  }
0x80: {  	_ =	shalt  }
0x81: {  	_ =	shalt  }
0x82: {  	_ =	shalt  }
0x83: {  	_ =	shalt  }
0x84: {  	_ =	shalt  }
0x85: {  	_ =	shalt  }
0x86: {  	_ =	shalt  }
0x87: {  	_ =	shalt  }
.Lfunc_end0:
.L_simem_size_0:
called_computation.1_lowered:
.L_overlay_start_0:
0x88: {  	s2 =	sld [smem:$0x3FD9]  }
0x89: {  	s3 =	sld [smem:$0x3FFE];
	_ =	sdelay $0x1  }
0x8a: {  	s1 =	srdreg.scid  }
0x8b: {  	s0 =	sand.u32 $0x1, s1  }
0x8c: {  	s17 =	sshll.u32 s0, $0xA;
	s2 =	sadd.s32 s3, s2  }
0x8d: {  	s2 =	sadd.s32 s2, s17  }
0x8e: {  	[smem:$0x3FC6] =	sst s2  }
0x8f: {  	_ = 	snop  }
0x90: {  	s2 =	sld [smem:$0x3FC8]  }
0x91: {  	s18 =	sld [smem:$0x3FD0];
	(tm) =	ssettm $0x1  }
0x92: {  	s4 =	sld [smem:$0x3FFB];
	_ =	sdelay $0x3  }
0x93: {  	_ =	strace s4  }
0x94: {  	s4 =	sld [smem:$0x3FFC];
	_ =	sdelay $0x3  }
0x95: {  	_ =	strace s4  }
0x96: {  	s4 =	sld [smem:$0x3FFD];
	_ =	sdelay $0x3  }
0x97: {  	_ =	strace s4  }
0x98: {  	_ =	strace $0x8FFFFFFF  }
0x99: {  	s19 =	sld [smem:$0x3FDB];
	_ =	sdelay $0x1  }
0x9a: {  	s5 =	simm.s32 $_scs_section_size  }
0x9b: {  	s6 =	simm.s32 $_size__tile_overlayer_lowered;
	s7 =	simm.s32 $_tile_overlayer_lowered  }
0x9c: {  	s22 =	simm.s32 $0x1BFF;
	s21 =	sshll.u32 s7, $0x1;
	s4 =	sadd.s32 s5, s19  }
0x9d: {  	s8 =	simm.s32 $0x0;
	s20 =	sshll.u32 s6, $0x1;
	s6 =	sadd.s32 s21, s4  }
0x9e: {  	[timem:s8], [sflag:s22] =	dma.local [hbm:s6], s20  }
0x9f: {  	_ =	swait.ge [sflag:s22], s20  }
0xa0: {  	s5 =	ssub.s32 $0x0, s20;
	[sflag:s22] =	ssyncset.done $0x0  }
0xa1: {  	[sflag:s22] =	ssyncadd.s32 s5;
	_ =	sdelay $0x1  }
0xa2: {  	s23 =	simm.s32 $0x1B8B  }
0xa3: {  	_ =	swait.ge [sflag:s23], $0x1  }
0xa4: {  	[sflag:s23] =	ssyncset.done $0x0  }
0xa5: {  	s25 =	simm.s32 $0x1B8E;
	s24 =	sld [smem:$0x3FFE];
	[sflag:s23] =	ssyncadd.s32 $0xFFFFFFFF  }
0xa6: {  	s26 =	simm.s32 $execute0_lowered;
	[smem:$0x3FD2] =	sst s25  }
0xa7: {  	s6 =	sshll.u32 s26, $0x1;
	_ =	strace $0x80000046;
	[dreg:$0x1] =	wrdreg $0xFFFFFFFF  }
0xa8: {  	s28 =	simm.s32 $_size_execute0_lowered;
	s4 =	sadd.s32 s4, s6;
	[dreg:$0x0] =	wrdreg $0x0  }
0xa9: {  	s6 =	sshll.u32 s28, $0x1;
	[dreg:$0x2] =	wrdreg s4  }
0xaa: {  	[dreg:$0x3] =	wrdreg s6  }
0xab: {  	[dreg:$0x4] =	wrdreg $0xC0  }
0xac: {  	_ =	task [dreg:s8], $0x5FFFF  }
0xad: {  	[dreg:$0x1] =	wrdreg $0xFFFFFFFF  }
0xae: {  	[dreg:$0x0] =	wrdreg $0x60  }
0xaf: {  	[dreg:$0x2] =	wrdreg s24  }
0xb0: {  	[dreg:$0x3] =	wrdreg s2  }
0xb1: {  	[dreg:$0x4] =	wrdreg s18  }
0xb2: {  	[dreg:$0x5] =	wrdreg $0x159000  }
0xb3: {  	[dreg:$0x6] =	wrdreg $0x9  }
0xb4: {  	_ =	task.clear_ibuf [dreg:s8], $0x7FFFF;
	_ =	strace $0x90000046  }
0xb5: {  	s29 =	simm.s32 $0x9;
	_ =	strace $0x80000048  }
0xb6: {  	_ =	swait.ge [sflag:s29], $0x1  }
0xb7: {  	[sflag:s29] =	ssyncadd.s32 $0xFFFFFFFF  }
0xb8: {  	_ =	strace $0x90000048  }
0xb9: {  	_ =	sfence  }
0xba: {  	s30 =	sld [smem:$0x0];
	_ =	sdelay $0x2  }
0xbb: {  	s31 =	sshll.u32 s1, $0xD;
	s1 =	sshrl.u32 s1, $0x2  }
0xbc: {  	s3 =	sand.u32 $0x4000, s31;
	s1 =	sadd.s32 s1, s30  }
0xbd: {  	s0 =	sor.u32 s3, s0;
	s1 =	sshll.u32 s1, $0x11  }
0xbe: {  	s0 =	sor.u32 s1, s0  }
0xbf: {  	s0 =	sadd.s32 $0x8F2B, s0  }
0xc0: {  	[sflag:s0] =	ssyncadd.remote.s32 $0x1  }
0xc1: {  	_ =	sfence.sel $0xFFFF  }
0xc2: {  	[dreg:$0x0] =	wrdreg $0xFFFFFFFF;
	(pc) =	sbr.abs _section_cstart, $3  }
0xc3: {  	[dreg:$0x1] =	wrdreg $0xFFFFFFFF  }
0xc4: {  	_ =	task.clear_ibuf [dreg:s8], $0x2FFFF;
	_ =	strace $0x9FFFFFFF  }
0xc5: {  	(tm) =	ssettm $0x7FFFFFFF  }
tec
execute0_lowered:
.L_overlay_start_1:
0x0: {  	(tag) =	ssettag $0x1  }
0x1: {  	s0 =	rddreg [dreg:$0x0]  }
0x2: {  	s1 =	srdreg.scid;
	s6 =	rddreg [dreg:$0x2]  }
0x3: {  	s5 =	stileid.u32;
	s2 =	rddreg [dreg:$0x3]  }
0x4: {  	s28 =	simm.s32 $0x2;
	s30 =	simm.s32 $0x11900;
	s31 =	simm.s32 $0x3  }
0x5: {  	s1 =	sand.u32 $0x1, s1;
	s3 =	sshll.u32 s5, $0x1;
	s23 =	smul.u32 $0x32000, s5  }
0x6: {  	s4 =	sor.u32 s1, s3;
	s9 =	ssub.s32 $0x2, s1;
	s1 =	smul.u32 $0x19000, s1  }
0x7: {  	s29 =	simm.s32 $0x8;
	p0 =	sne.s32 s5, $0x0;
	s7 =	smul.u32 $0x1900, s4  }
0x8: {  	s5 =	simm.s32 $0x9;
	s3 =	simm.s32 $0x0;
	s8 =	smul.u32 $0x19000, s4  }
0x9: {  	[smem:$0x7FF] =	sst s3;
	s10 =	smul.u32 $0xC8000, s4;
	s15 =	sshrl.u32 s9, $0x1  }
0xa: {  	_ =	strace $0x80000047;
	s16 =	ssub.s32 s9, s15;
	s7 =	sshrl.u32 s7, $0x3  }
0xb: {  	s17 =	sadd.s32 s6, s8;
	s18 =	sshrl.u32 s10, $0x3;
	s15 =	smax.u32 s16, $0x1  }
0xc: {  	s0 =	sadd.s32 s7, s0;
	[dreg:$0x5] =	wrdreg s17;
	s19 =	sadd.s32 $0x800, s17  }
0xd: {  	s20 =	sadd.s32 s6, s18;
	s6 =	sadd.s32 s23, s6;
	s17 =	sshrl.u32 @!p0 s2, $0x3  }
0xe: {  	s18 =	simm.s32 $0xB;
	s23 =	simm.s32 $0x9900;
	s7 =	simm.s32 $0x0  }
0xf: {  	s0 =	sadd.s32 $0x800, s0;
	[dreg:$0x7] =	wrdreg s19;
	s21 =	sadd.s32 $0x1000, s20  }
0x10: {  	s22 =	sadd.s32 $0x1800, s20;
	s24 =	sadd.s32 $0x2000, s20;
	s25 =	sadd.s32 $0x16800, s20  }
0x11: {  	s11 =	sadd.s32 $0x17000, s20;
	s12 =	sadd.s32 $0x17800, s20;
	[dreg:$0x6] =	wrdreg s0  }
0x12: {  	s13 =	sadd.s32 $0x18000, s20;
	s14 =	sadd.s32 $0x18800, s20;
	[dreg:$0x8] =	wrdreg s21  }
0x13: {  	s26 =	sadd.s32 s1, s6;
	s19 =	simm.s32 $0x80;
	[dreg:$0x9] =	wrdreg s22  }
0x14: {  	s20 =	simm.s32 $0x1900;
	s1 =	simm.s32 $0x6;
	[dreg:$0xa] =	wrdreg s24  }
0x15: {  	s6 =	simm.s32 $0xA;
	[dreg:$0xb] =	wrdreg s25;
	s16 =	sadd.s32 $0x4800, s26  }
0x16: {  	s21 =	simm.s32 $0x5900;
	s24 =	simm.s32 $0x1;
	s26 =	simm.s32 $0xD900  }
0x17: {  	s22 =	simm.s32 $0x4;
	s25 =	simm.s32 $0x7;
	s0 =	simm.s32 $0x5  }
.LBB2_1:
0x18: {  	s8 =	simm.s32 @!p0 $0x1C0B;
	s4 =	rddreg [dreg:$0x1]  }
0x19: {  	[spmem:s17], [sflag:s8] =	dma.local @!p0 [hbm:s4], $0x3E80  }
0x1a: {  	s8 =	simm.s32 @!p0 $0xB  }
0x1b: {  	_ =	swait.ge @!p0 [sflag:s8], $0x3E80  }
0x1c: {  	[sflag:s8] =	ssyncset.done @!p0 $0x0  }
0x1d: {  	s9 =	rddreg [dreg:$0x6];
	[sflag:s8] =	ssyncadd.s32 @!p0 $0xFFFFC180  }
0x1e: {  	[tilespmem:s3], [sflag:$0xB] =	stream.linear.gather [hbm4b:s9+s3], $0x1900, $0x38;
	[tilespmem:$0x17840] =	vst v63  }
0x1f: {  	_ =	swait.ge [sflag:s18], $0x1900  }
0x20: {  	[sflag:s18] =	ssyncset.done $0x0  }
0x21: {  	[sflag:s18] =	ssyncadd.s32 $0xFFFFE700  }
0x22: {  	[bflag:$0x0] =	sbarrier.arrive $0xFFFF  }
0x23: {  	[tilespmem:s20], [sflag:$0x1] =	stream.indirect.gather [spmem:s2], $0x80, s3, s19, $0xb8;
	[tilespmem:$0x17840] =	vst v63  }
0x24: {  	_ = 	snop  }
0x25: {  	[tilespmem:s21], [sflag:$0x2] =	stream.indirect.gather [spmem:s2], $0x80, s19, s19, $0xb8;
	[tilespmem:$0x17840] =	vst v63  }
0x26: {  	s10 =	simm.s32 $0x100  }
0x27: {  	[tilespmem:s23], [sflag:$0x3] =	stream.indirect.gather [spmem:s2], $0x80, s10, s19, $0xb8;
	[tilespmem:$0x17840] =	vst v63  }
0x28: {  	_ =	swait.ge [sflag:s24], $0x4000  }
0x29: {  	[sflag:s24] =	ssyncset.done $0x0  }
0x2a: {  	s8 =	rddreg [dreg:$0x5];
	[sflag:s24] =	ssyncadd.s32 $0xFFFFC000  }
0x2b: {  	[hbm4b:s8+s3] =	stream.linear.scatter [tilespmem:s20], [sflag:$0x6], $0x4000, $0x38;
	[tilespmem:$0x17840] =	vst v63  }
0x2c: {  	s9 =	simm.s32 $0x180  }
0x2d: {  	[tilespmem:s26], [sflag:$0x4] =	stream.indirect.gather [spmem:s2], $0x80, s9, s19, $0xb8;
	[tilespmem:$0x17840] =	vst v63  }
0x2e: {  	_ =	swait.ge [sflag:s28], $0x4000  }
0x2f: {  	[sflag:s28] =	ssyncset.done $0x0  }
0x30: {  	s10 =	rddreg [dreg:$0x7];
	[sflag:s28] =	ssyncadd.s32 $0xFFFFC000  }
0x31: {  	[hbm4b:s10+s3] =	stream.linear.scatter [tilespmem:s21], [sflag:$0x7], $0x4000, $0x38;
	[tilespmem:$0x17840] =	vst v63  }
0x32: {  	s8 =	simm.s32 $0x200  }
0x33: {  	[tilespmem:s30], [sflag:$0x5] =	stream.indirect.gather [spmem:s2], $0x80, s8, s19, $0xb8;
	[tilespmem:$0x17840] =	vst v63  }
0x34: {  	_ =	swait.ge [sflag:s31], $0x4000  }
0x35: {  	[sflag:s31] =	ssyncset.done $0x0  }
0x36: {  	s9 =	rddreg [dreg:$0x8];
	[sflag:s31] =	ssyncadd.s32 $0xFFFFC000  }
0x37: {  	[hbm4b:s9+s3] =	stream.linear.scatter [tilespmem:s23], [sflag:$0x8], $0x4000, $0x38;
	[tilespmem:$0x17840] =	vst v63  }
0x38: {  	_ =	swait.ge [sflag:s1], $0x4000  }
0x39: {  	[sflag:s1] =	ssyncset.done $0x0  }
0x3a: {  	s10 =	simm.s32 $0x280;
	[sflag:s1] =	ssyncadd.s32 $0xFFFFC000  }
0x3b: {  	[tilespmem:s20], [sflag:$0x1] =	stream.indirect.gather [spmem:s2], $0x80, s10, s19, $0xb8;
	[tilespmem:$0x17840] =	vst v63  }
0x3c: {  	_ =	swait.ge [sflag:s22], $0x4000  }
0x3d: {  	[sflag:s22] =	ssyncset.done $0x0  }
0x3e: {  	s8 =	rddreg [dreg:$0x9];
	[sflag:s22] =	ssyncadd.s32 $0xFFFFC000  }
0x3f: {  	[hbm4b:s8+s3] =	stream.linear.scatter [tilespmem:s26], [sflag:$0x9], $0x4000, $0x38;
	[tilespmem:$0x17840] =	vst v63  }
0x40: {  	_ =	swait.ge [sflag:s25], $0x4000  }
0x41: {  	[sflag:s25] =	ssyncset.done $0x0  }
0x42: {  	s9 =	simm.s32 $0x300;
	[sflag:s25] =	ssyncadd.s32 $0xFFFFC000  }
0x43: {  	[tilespmem:s21], [sflag:$0x2] =	stream.indirect.gather [spmem:s2], $0x80, s9, s19, $0xb8;
	[tilespmem:$0x17840] =	vst v63  }
0x44: {  	_ =	swait.ge [sflag:s0], $0x4000  }
0x45: {  	[sflag:s0] =	ssyncset.done $0x0  }
0x46: {  	s10 =	rddreg [dreg:$0xa];
	[sflag:s0] =	ssyncadd.s32 $0xFFFFC000  }
0x47: {  	[hbm4b:s10+s3] =	stream.linear.scatter [tilespmem:s30], [sflag:$0xA], $0x4000, $0x38;
	[tilespmem:$0x17840] =	vst v63  }
0x48: {  	_ =	swait.ge [sflag:s29], $0x4000  }
0x49: {  	[sflag:s29] =	ssyncset.done $0x0  }
0x4a: {  	s8 =	simm.s32 $0x380;
	[sflag:s29] =	ssyncadd.s32 $0xFFFFC000  }
0x4b: {  	[tilespmem:s23], [sflag:$0x3] =	stream.indirect.gather [spmem:s2], $0x80, s8, s19, $0xb8;
	[tilespmem:$0x17840] =	vst v63  }
0x4c: {  	_ =	swait.ge [sflag:s24], $0x4000  }
0x4d: {  	[sflag:s24] =	ssyncset.done $0x0  }
0x4e: {  	s9 =	sadd.s32 $0xFFFFE000, s16;
	[sflag:s24] =	ssyncadd.s32 $0xFFFFC000  }
0x4f: {  	[hbm4b:s9+s3] =	stream.linear.scatter [tilespmem:s20], [sflag:$0x6], $0x4000, $0x38;
	[tilespmem:$0x17840] =	vst v63  }
0x50: {  	_ =	swait.ge [sflag:s5], $0x4000  }
0x51: {  	[sflag:s5] =	ssyncset.done $0x0  }
0x52: {  	s10 =	simm.s32 $0x400;
	[sflag:s5] =	ssyncadd.s32 $0xFFFFC000  }
0x53: {  	[tilespmem:s26], [sflag:$0x4] =	stream.indirect.gather [spmem:s2], $0x80, s10, s19, $0xb8;
	[tilespmem:$0x17840] =	vst v63  }
0x54: {  	_ =	swait.ge [sflag:s28], $0x4000  }
0x55: {  	[sflag:s28] =	ssyncset.done $0x0  }
0x56: {  	s4 =	sadd.s32 $0xFFFFE800, s16;
	[sflag:s28] =	ssyncadd.s32 $0xFFFFC000  }
0x57: {  	[hbm4b:s4+s3] =	stream.linear.scatter [tilespmem:s21], [sflag:$0x7], $0x4000, $0x38;
	[tilespmem:$0x17840] =	vst v63  }
0x58: {  	_ =	swait.ge [sflag:s6], $0x4000  }
0x59: {  	[sflag:s6] =	ssyncset.done $0x0  }
0x5a: {  	s9 =	simm.s32 $0x480;
	[sflag:s6] =	ssyncadd.s32 $0xFFFFC000  }
0x5b: {  	[tilespmem:s30], [sflag:$0x5] =	stream.indirect.gather [spmem:s2], $0x80, s9, s19, $0xb8;
	[tilespmem:$0x17840] =	vst v63  }
0x5c: {  	_ =	swait.ge [sflag:s31], $0x4000  }
0x5d: {  	[sflag:s31] =	ssyncset.done $0x0  }
0x5e: {  	s10 =	sadd.s32 $0xFFFFF000, s16;
	[sflag:s31] =	ssyncadd.s32 $0xFFFFC000  }
0x5f: {  	[hbm4b:s10+s3] =	stream.linear.scatter [tilespmem:s23], [sflag:$0x8], $0x4000, $0x38;
	[tilespmem:$0x17840] =	vst v63  }
0x60: {  	_ =	swait.ge [sflag:s1], $0x4000  }
0x61: {  	[sflag:s1] =	ssyncset.done $0x0  }
0x62: {  	s4 =	simm.s32 $0x500;
	[sflag:s1] =	ssyncadd.s32 $0xFFFFC000  }
0x63: {  	[tilespmem:s20], [sflag:$0x1] =	stream.indirect.gather [spmem:s2], $0x80, s4, s19, $0xb8;
	[tilespmem:$0x17840] =	vst v63  }
0x64: {  	_ =	swait.ge [sflag:s22], $0x4000  }
0x65: {  	[sflag:s22] =	ssyncset.done $0x0  }
0x66: {  	s9 =	sadd.s32 $0xFFFFF800, s16;
	[sflag:s22] =	ssyncadd.s32 $0xFFFFC000  }
0x67: {  	[hbm4b:s9+s3] =	stream.linear.scatter [tilespmem:s26], [sflag:$0x9], $0x4000, $0x38;
	[tilespmem:$0x17840] =	vst v63  }
0x68: {  	_ =	swait.ge [sflag:s25], $0x4000  }
0x69: {  	[sflag:s25] =	ssyncset.done $0x0  }
0x6a: {  	s10 =	simm.s32 $0x580;
	[sflag:s25] =	ssyncadd.s32 $0xFFFFC000  }
0x6b: {  	[tilespmem:s21], [sflag:$0x2] =	stream.indirect.gather [spmem:s2], $0x80, s10, s19, $0xb8;
	[tilespmem:$0x17840] =	vst v63  }
0x6c: {  	_ =	swait.ge [sflag:s0], $0x4000  }
0x6d: {  	[sflag:s0] =	ssyncset.done $0x0  }
0x6e: {  	[sflag:s0] =	ssyncadd.s32 $0xFFFFC000  }
0x6f: {  	[hbm4b:s16+s3] =	stream.linear.scatter [tilespmem:s30], [sflag:$0xA], $0x4000, $0x38;
	[tilespmem:$0x17840] =	vst v63  }
0x70: {  	_ =	swait.ge [sflag:s29], $0x4000  }
0x71: {  	s8 =	simm.s32 $0xA00;
	[sflag:s29] =	ssyncset.done $0x0  }
0x72: {  	s9 =	sadd.s32 $0x2800, s16;
	s10 =	simm.s32 $0x600;
	[sflag:s29] =	ssyncadd.s32 $0xFFFFC000  }
.LBB2_2:
0x73: {  	[tilespmem:s23], [sflag:$0x3] =	stream.indirect.gather [spmem:s2], $0x80, s10, s19, $0xb8;
	[tilespmem:$0x17840] =	vst v63  }
0x74: {  	s10 =	smov.u32 s8  }
0x75: {  	p1 =	sne.s32 s8, $0x4600;
	s8 =	sadd.s32 $0xA00, s8;
	_ =	swait.ge [sflag:s24], $0x4000  }
0x76: {  	[sflag:s24] =	ssyncset.done $0x0  }
0x77: {  	s4 =	sadd.s32 $0xFFFFE000, s9;
	[sflag:s24] =	ssyncadd.s32 $0xFFFFC000  }
0x78: {  	[hbm4b:s4+s3] =	stream.linear.scatter [tilespmem:s20], [sflag:$0x6], $0x4000, $0x38;
	[tilespmem:$0x17840] =	vst v63  }
0x79: {  	_ =	swait.ge [sflag:s5], $0x4000  }
0x7a: {  	s10 =	sshra.s32 s10, $0x2;
	[sflag:s5] =	ssyncset.done $0x0  }
0x7b: {  	s4 =	sadd.s32 $0x400, s10;
	[sflag:s5] =	ssyncadd.s32 $0xFFFFC000  }
0x7c: {  	[tilespmem:s26], [sflag:$0x4] =	stream.indirect.gather [spmem:s2], $0x80, s4, s19, $0xb8;
	[tilespmem:$0x17840] =	vst v63  }
0x7d: {  	_ =	swait.ge [sflag:s28], $0x4000  }
0x7e: {  	[sflag:s28] =	ssyncset.done $0x0  }
0x7f: {  	s4 =	sadd.s32 $0xFFFFE800, s9;
	[sflag:s28] =	ssyncadd.s32 $0xFFFFC000  }
0x80: {  	[hbm4b:s4+s3] =	stream.linear.scatter [tilespmem:s21], [sflag:$0x7], $0x4000, $0x38;
	[tilespmem:$0x17840] =	vst v63  }
0x81: {  	_ =	swait.ge [sflag:s6], $0x4000  }
0x82: {  	[sflag:s6] =	ssyncset.done $0x0  }
0x83: {  	s4 =	sadd.s32 $0x480, s10;
	[sflag:s6] =	ssyncadd.s32 $0xFFFFC000  }
0x84: {  	[tilespmem:s30], [sflag:$0x5] =	stream.indirect.gather [spmem:s2], $0x80, s4, s19, $0xb8;
	[tilespmem:$0x17840] =	vst v63  }
0x85: {  	_ =	swait.ge [sflag:s31], $0x4000  }
0x86: {  	[sflag:s31] =	ssyncset.done $0x0  }
0x87: {  	s4 =	sadd.s32 $0xFFFFF000, s9;
	[sflag:s31] =	ssyncadd.s32 $0xFFFFC000  }
0x88: {  	[hbm4b:s4+s3] =	stream.linear.scatter [tilespmem:s23], [sflag:$0x8], $0x4000, $0x38;
	[tilespmem:$0x17840] =	vst v63  }
0x89: {  	_ =	swait.ge [sflag:s1], $0x4000  }
0x8a: {  	[sflag:s1] =	ssyncset.done $0x0  }
0x8b: {  	s4 =	sadd.s32 $0x500, s10;
	[sflag:s1] =	ssyncadd.s32 $0xFFFFC000  }
0x8c: {  	[tilespmem:s20], [sflag:$0x1] =	stream.indirect.gather [spmem:s2], $0x80, s4, s19, $0xb8;
	[tilespmem:$0x17840] =	vst v63  }
0x8d: {  	_ =	swait.ge [sflag:s22], $0x4000  }
0x8e: {  	[sflag:s22] =	ssyncset.done $0x0  }
0x8f: {  	s4 =	sadd.s32 $0xFFFFF800, s9;
	[sflag:s22] =	ssyncadd.s32 $0xFFFFC000  }
0x90: {  	[hbm4b:s4+s3] =	stream.linear.scatter [tilespmem:s26], [sflag:$0x9], $0x4000, $0x38;
	[tilespmem:$0x17840] =	vst v63  }
0x91: {  	_ =	swait.ge [sflag:s25], $0x4000  }
0x92: {  	[sflag:s25] =	ssyncset.done $0x0  }
0x93: {  	s4 =	sadd.s32 $0x580, s10;
	[sflag:s25] =	ssyncadd.s32 $0xFFFFC000  }
0x94: {  	[tilespmem:s21], [sflag:$0x2] =	stream.indirect.gather [spmem:s2], $0x80, s4, s19, $0xb8;
	[tilespmem:$0x17840] =	vst v63  }
0x95: {  	_ =	swait.ge [sflag:s0], $0x4000  }
0x96: {  	[sflag:s0] =	ssyncset.done $0x0  }
.Ltmp0:
0x97: {  	[sflag:s0] =	ssyncadd.s32 $0xFFFFC000;
	(pc) =	sbr.rel @p1 .LBB2_2-.Ltmp0, $4  }
0x98: {  	[hbm4b:s9+s3] =	stream.linear.scatter [tilespmem:s30], [sflag:$0xA], $0x4000, $0x38;
	[tilespmem:$0x17840] =	vst v63  }
0x99: {  	_ =	swait.ge [sflag:s29], $0x4000  }
0x9a: {  	[sflag:s29] =	ssyncset.done $0x0  }
0x9b: {  	s10 =	sadd.s32 $0x600, s10;
	s9 =	sadd.s32 $0x2800, s9;
	[sflag:s29] =	ssyncadd.s32 $0xFFFFC000  }
0x9c: {  	[tilespmem:s23], [sflag:$0x3] =	stream.indirect.gather [spmem:s2], $0x80, s10, s19, $0xb8;
	[tilespmem:$0x17840] =	vst v63  }
0x9d: {  	_ =	swait.ge [sflag:s24], $0x4000  }
0x9e: {  	[sflag:s24] =	ssyncset.done $0x0  }
0x9f: {  	s4 =	rddreg [dreg:$0xb];
	[sflag:s24] =	ssyncadd.s32 $0xFFFFC000  }
0xa0: {  	[hbm4b:s4+s3] =	stream.linear.scatter [tilespmem:s20], [sflag:$0x6], $0x4000, $0x38;
	[tilespmem:$0x17840] =	vst v63  }
0xa1: {  	_ =	swait.ge [sflag:s5], $0x4000  }
0xa2: {  	[sflag:s5] =	ssyncset.done $0x0  }
0xa3: {  	s9 =	simm.s32 $0x1800;
	[sflag:s5] =	ssyncadd.s32 $0xFFFFC000  }
0xa4: {  	[tilespmem:s26], [sflag:$0x4] =	stream.indirect.gather [spmem:s2], $0x80, s9, s19, $0xb8;
	[tilespmem:$0x17840] =	vst v63  }
0xa5: {  	_ =	swait.ge [sflag:s28], $0x4000  }
0xa6: {  	[sflag:s28] =	ssyncset.done $0x0  }
0xa7: {  	[sflag:s28] =	ssyncadd.s32 $0xFFFFC000  }
0xa8: {  	[hbm4b:s11+s3] =	stream.linear.scatter [tilespmem:s21], [sflag:$0x7], $0x4000, $0x38;
	[tilespmem:$0x17840] =	vst v63  }
0xa9: {  	_ =	swait.ge [sflag:s6], $0x4000  }
0xaa: {  	[sflag:s6] =	ssyncset.done $0x0  }
0xab: {  	s10 =	simm.s32 $0x1880;
	[sflag:s6] =	ssyncadd.s32 $0xFFFFC000  }
0xac: {  	[tilespmem:s30], [sflag:$0x5] =	stream.indirect.gather [spmem:s2], $0x80, s10, s19, $0xb8;
	[tilespmem:$0x17840] =	vst v63  }
0xad: {  	_ =	swait.ge [sflag:s31], $0x4000  }
0xae: {  	[sflag:s31] =	ssyncset.done $0x0  }
0xaf: {  	[sflag:s31] =	ssyncadd.s32 $0xFFFFC000  }
0xb0: {  	[hbm4b:s12+s3] =	stream.linear.scatter [tilespmem:s23], [sflag:$0x8], $0x4000, $0x38;
	[tilespmem:$0x17840] =	vst v63  }
0xb1: {  	_ =	swait.ge [sflag:s22], $0x4000  }
0xb2: {  	[sflag:s22] =	ssyncset.done $0x0  }
0xb3: {  	[sflag:s22] =	ssyncadd.s32 $0xFFFFC000  }
0xb4: {  	[hbm4b:s13+s3] =	stream.linear.scatter [tilespmem:s26], [sflag:$0x9], $0x4000, $0x38;
	[tilespmem:$0x17840] =	vst v63  }
0xb5: {  	_ =	swait.ge [sflag:s0], $0x4000  }
0xb6: {  	[sflag:s0] =	ssyncset.done $0x0  }
0xb7: {  	[sflag:s0] =	ssyncadd.s32 $0xFFFFC000  }
0xb8: {  	[hbm4b:s14+s3] =	stream.linear.scatter [tilespmem:s30], [sflag:$0xA], $0x4000, $0x38;
	[tilespmem:$0x17840] =	vst v63  }
0xb9: {  	_ =	swait.ge [sflag:s1], $0x4000  }
0xba: {  	[sflag:s1] =	ssyncset.done $0x0  }
0xbb: {  	[sflag:s1] =	ssyncadd.s32 $0xFFFFC000  }
0xbc: {  	_ =	swait.ge [sflag:s25], $0x4000  }
0xbd: {  	[sflag:s25] =	ssyncset.done $0x0  }
0xbe: {  	[sflag:s25] =	ssyncadd.s32 $0xFFFFC000  }
0xbf: {  	_ =	swait.ge [sflag:s29], $0x4000  }
0xc0: {  	[sflag:s29] =	ssyncset.done $0x0  }
0xc1: {  	s7 =	sadd.s32 $0x1, s7;
	[sflag:s29] =	ssyncadd.s32 $0xFFFFC000  }
0xc2: {  	p1 =	sne.s32 s7, s15;
	_ =	swait.ge [sflag:s5], $0x4000  }
.Ltmp1:
0xc3: {  	[sflag:s5] =	ssyncset.done $0x0;
	(pc) =	sbr.rel @p1 .LBB2_1-.Ltmp1, $4  }
0xc4: {  	[sflag:s5] =	ssyncadd.s32 $0xFFFFC000  }
0xc5: {  	_ =	swait.ge [sflag:s6], $0x4000  }
0xc6: {  	[sflag:s6] =	ssyncset.done $0x0  }
0xc7: {  	[sflag:s6] =	ssyncadd.s32 $0xFFFFC000  }
0xc8: {  	_ =	sfence.sel $0x180000  }
0xc9: {  	[bflag:$0x0] =	sbarrier.arrive $0xFFFF  }
0xca: {  	_ =	strace $0x90000047  }
0xcb: {  	[bflag:$0x2] =	sbarrier.arrive $0xFFFF  }
0xcc: {  	s0 =	rddreg [dreg:$0x4]  }
0xcd: {  	s0 =	sadd.s32 @!p0 $0x100000, s0  }
0xce: {  	[sflag:s0] =	ssyncadd.tile.s32 @!p0 $0x1;
	_ =	shalt  }
.Lfunc_end2:
_tile_overlayer_lowered:
.L_overlay_start_2:
0xcf: {  	(tag) =	ssettag $0x2  }
0xd0: {  	s0 =	rddreg [dreg:$0x0];
	s2 =	stileid.u32  }
0xd1: {  	s1 =	rddreg [dreg:$0x1];
	p0 =	sne.s32 s2, $0x0  }
0xd2: {  	s3 =	rddreg [dreg:$0x2];
	[bflag:$0x3] =	sbarrier.arrive $0xFFFF;
	s2 =	simm.s32 @!p0 $0x1C0B  }
0xd3: {  	[timem:s3], [sflag:s2] =	dma.local @!p0 [hbm:s0], s1  }
0xd4: {  	s0 =	simm.s32 @!p0 $0xB  }
0xd5: {  	_ =	swait.ge @!p0 [sflag:s0], s1  }
0xd6: {  	s1 =	ssub.s32 @!p0 $0x0, s1;
	[sflag:s0] =	ssyncset.done @!p0 $0x0  }
0xd7: {  	[sflag:s0] =	ssyncadd.s32 @!p0 s1  }
0xd8: {  	[bflag:$0x3] =	sbarrier.arrive $0xFFFF  }
0xd9: {  	_ =	shalt  }

// kernel: sparse-core-data-format-call.cloned.1.call-start
scs
called_computation_lowered:
.L_overlay_start_0:
0x0: {  	s2 =	sld [smem:$0x3FD9]  }
0x1: {  	s3 =	sld [smem:$0x3FFE];
	_ =	sdelay $0x1  }
0x2: {  	s1 =	srdreg.scid  }
0x3: {  	s0 =	sand.u32 $0x1, s1  }
0x4: {  	s18 =	sshll.u32 s0, $0xA;
	s2 =	sadd.s32 s3, s2  }
0x5: {  	s2 =	sadd.s32 s2, s18  }
0x6: {  	[smem:$0x3FC6] =	sst s2  }
0x7: {  	_ = 	snop  }
0x8: {  	s2 =	sld [smem:$0x3FD0];
	(tm) =	ssettm $0x1  }
0x9: {  	s19 =	sld [smem:$0x3FFB];
	_ =	sdelay $0x3  }
0xa: {  	_ =	strace s19  }
0xb: {  	s3 =	sld [smem:$0x3FFC];
	_ =	sdelay $0x3  }
0xc: {  	_ =	strace s3  }
0xd: {  	s3 =	sld [smem:$0x3FFD];
	_ =	sdelay $0x3  }
0xe: {  	_ =	strace s3  }
0xf: {  	_ =	strace $0x8FFFFFFF  }
0x10: {  	s20 =	sld [smem:$0x3FDB];
	_ =	sdelay $0x1  }
0x11: {  	s4 =	simm.s32 $_scs_section_size  }
0x12: {  	s5 =	simm.s32 $_size__tile_overlayer_lowered;
	s6 =	simm.s32 $_tile_overlayer_lowered  }
0x13: {  	s23 =	simm.s32 $0x1BFF;
	s22 =	sshll.u32 s6, $0x1;
	s3 =	sadd.s32 s4, s20  }
0x14: {  	s7 =	simm.s32 $0x0;
	s21 =	sshll.u32 s5, $0x1;
	s5 =	sadd.s32 s22, s3  }
0x15: {  	[timem:s7], [sflag:s23] =	dma.local [hbm:s5], s21  }
0x16: {  	_ =	swait.ge [sflag:s23], s21  }
0x17: {  	s4 =	ssub.s32 $0x0, s21;
	[sflag:s23] =	ssyncset.done $0x0  }
0x18: {  	[sflag:s23] =	ssyncadd.s32 s4;
	_ =	sdelay $0x1  }
0x19: {  	s24 =	simm.s32 $0x1B8B  }
0x1a: {  	_ =	swait.ge [sflag:s24], $0x1  }
0x1b: {  	[sflag:s24] =	ssyncset.done $0x0  }
0x1c: {  	s26 =	simm.s32 $0x1B8E;
	s25 =	sld [smem:$0x3FFE];
	[sflag:s24] =	ssyncadd.s32 $0xFFFFFFFF  }
0x1d: {  	s27 =	simm.s32 $execute0_lowered;
	[smem:$0x3FD2] =	sst s26  }
0x1e: {  	s5 =	sshll.u32 s27, $0x1;
	_ =	strace $0x80000049;
	[dreg:$0x1] =	wrdreg $0xFFFFFFFF  }
0x1f: {  	s28 =	simm.s32 $_size_execute0_lowered;
	s3 =	sadd.s32 s3, s5;
	[dreg:$0x0] =	wrdreg $0x0  }
0x20: {  	s5 =	sshll.u32 s28, $0x1;
	[dreg:$0x2] =	wrdreg s3  }
0x21: {  	[dreg:$0x3] =	wrdreg s5  }
0x22: {  	[dreg:$0x4] =	wrdreg $0xC0  }
0x23: {  	_ =	task [dreg:s7], $0x5FFFF  }
0x24: {  	[dreg:$0x1] =	wrdreg $0xFFFFFFFF  }
0x25: {  	[dreg:$0x0] =	wrdreg $0x60  }
0x26: {  	[dreg:$0x2] =	wrdreg s25  }
0x27: {  	[dreg:$0x3] =	wrdreg s2  }
0x28: {  	[dreg:$0x4] =	wrdreg $0x9  }
0x29: {  	_ =	task.clear_ibuf [dreg:s7], $0x5FFFF;
	_ =	strace $0x90000049  }
0x2a: {  	s29 =	simm.s32 $0x9;
	_ =	strace $0x8000004B  }
0x2b: {  	_ =	swait.ge [sflag:s29], $0x1  }
0x2c: {  	[sflag:s29] =	ssyncadd.s32 $0xFFFFFFFF  }
0x2d: {  	_ =	strace $0x9000004B  }
0x2e: {  	_ =	sfence  }
0x2f: {  	s30 =	sld [smem:$0x0];
	_ =	sdelay $0x2  }
0x30: {  	s31 =	sshll.u32 s1, $0xD;
	s1 =	sshrl.u32 s1, $0x2  }
0x31: {  	s3 =	sand.u32 $0x4000, s31;
	s1 =	sadd.s32 s1, s30  }
0x32: {  	s0 =	sor.u32 s3, s0;
	s1 =	sshll.u32 s1, $0x11  }
0x33: {  	s0 =	sor.u32 s1, s0  }
0x34: {  	s0 =	sadd.s32 $0x8F2B, s0  }
0x35: {  	[sflag:s0] =	ssyncadd.remote.s32 $0x1  }
0x36: {  	_ =	sfence.sel $0xFFFF  }
0x37: {  	[dreg:$0x0] =	wrdreg $0xFFFFFFFF;
	(pc) =	sbr.abs _section_cstart, $3  }
0x38: {  	[dreg:$0x1] =	wrdreg $0xFFFFFFFF  }
0x39: {  	_ =	task.clear_ibuf [dreg:s7], $0x2FFFF;
	_ =	strace $0x9FFFFFFF  }
0x3a: {  	(tm) =	ssettm $0x7FFFFFFF  }
0x3b: {  	_ =	shalt  }
tec
execute0_lowered:
.L_overlay_start_1:
0x0: {  	(tag) =	ssettag $0x1  }
0x1: {  	s0 =	srdreg.scid  }
0x2: {  	s1 =	sshll.u32 s0, $0x4  }
0x3: {  	s0 =	stileid.u32;
	s1 =	sand.u32 $0x10, s1  }
0x4: {  	s1 =	sor.u32 s0, s1  }
0x5: {  	s6 =	rddreg [dreg:$0x0];
	s4 =	simm.s32 $0x1;
	s2 =	sshll.u32 s1, $0x6  }
0x6: {  	s7 =	simm.s32 $0x2;
	s13 =	simm.s32 $0x0;
	s1 =	ssub.s32 $0x1000, s2  }
0x7: {  	s8 =	simm.s32 $0x2000;
	s9 =	simm.s32 $0x80000;
	s3 =	sand.u32 $0x7C0, s1  }
0x8: {  	s14 =	simm.s32 $0x0;
	s5 =	sshrl.u32 s1, $0xB;
	p0 =	sne.s32 s3, $0x0  }
.Ltmp0:
0x9: {  	s1 =	rddreg [dreg:$0x2];
	s4 =	simm.s32 @!p0 $0x0;
	(pc) =	sbr.rel .LBB1_1-.Ltmp0, $4  }
0xa: {  	s10 =	simm.s32 $0x0;
	s3 =	rddreg [dreg:$0x1];
	s5 =	sadd.s32 s4, s5  }
0xb: {  	_ =	strace $0x8000004A;
	s4 =	simm.s32 $0x1;
	s5 =	smul.u32 $0x19, s5  }
0xc: {  	s12 =	simm.s32 $0x0;
	s6 =	sadd.s32 $0x800, s6;
	[sflag:s4] =	ssyncpa.u1 $0x0  }
0xd: {  	s11 =	smov.u32 s2;
	[sflag:s7] =	ssyncpa.u1 $0x0;
	s7 =	sadd.s32 $0x1, s5  }
.LBB1_7:
0xe: {  	s15 =	sadd.s32 $0x2, s10  }
0xf: {  	s13 =	sadd.s32 $0x800, s11;
	s17 =	smov.u32 s11;
	p1 =	sgt.s32 s15, $0x31  }
0x10: {  	s17 =	smov.u32 @p1 s13  }
0x11: {  	s15 =	simm.s32 @p1 $0x0;
	p1 =	sgt.s32 s17, $0xFFF  }
0x12: {  	s17 =	smov.u32 @p1 s2;
	p1 =	sne.s32 s12, s7  }
.Ltmp1:
0x13: {  	p0 =	slt.u32 s12, $0x2;
	(pc) =	sbr.rel @!p1 .LBB1_8-.Ltmp1, $4  }
0x14: {  	s16 =	simm.s32 @!p0 $0x2  }
0x15: {  	s14 =	smov.u32 s11;
	_ =	swait.ge @!p0 [sflag:s16], $0x4000  }
0x16: {  	s13 =	smov.u32 s10;
	[sflag:s16] =	ssyncset.done @!p0 $0x0;
	s10 =	smov.u32 s15  }
0x17: {  	s12 =	sadd.s32 $0x1, s12;
	[sflag:s16] =	ssyncadd.s32 @!p0 $0xFFFFC000;
	s11 =	smov.u32 s17  }
.LBB1_1:
0x18: {  	p0 =	sge.u32 s12, s5  }
0x19: {  	s15 =	sand.u32 @!p0 $0x1FFFFFF, s10  }
0x1a: {  	s16 =	smulhi.u32 @!p0 $0x4924925, s15;
	_ =	sdelay $0x1  }
0x1b: {  	s16 =	smul.u32 @!p0 $0x38, s16  }
0x1c: {  	s17 =	sxor.u32 @!p0 $0xFFFFFFFF, s12;
	s18 =	smul.u32 @!p0 $0x380, s11  }
0x1d: {  	s31 =	sadd.s32 $0xFFFFFFFF, s12;
	s17 =	sshll.u32 @!p0 s17, $0xE;
	s15 =	ssub.s32 @!p0 s15, s16  }
0x1e: {  	s16 =	sand.u32 @!p0 $0x4000, s17;
	s17 =	sadd.s32 @!p0 s6, s18;
	s15 =	sshll.u32 @!p0 s15, $0x4  }
0x1f: {  	s18 =	simm.s32 @!p0 $0x1C00;
	s15 =	sadd.s32 @!p0 s15, s17;
	s17 =	simm.s32 @!p0 $0x100  }
0x20: {  	[tilespmem:s16], [sflag:$0x1] =	stream.strided.gather @!p0 [hbm4b:s15+s17], $0x4000, s18, s17, $0x38;
	[tilespmem:$0x10000] =	vst v63  }
0x21: {  	p0 =	sge.u32 s31, s5  }
.Ltmp2:
0x22: {  	_ = 	snop;
	(pc) =	sbr.rel @p0 .LBB1_7-.Ltmp2, $1  }
0x23: {  	_ =	sdelay $0x3  }
0x24: {  	_ =	swait.ge [sflag:s4], $0x4000;
	s15 =	sshll.u32 s12, $0xE  }
0x25: {  	[sflag:s4] =	ssyncset.done $0x0;
	s16 =	sand.u32 $0x4000, s15  }
0x26: {  	s17 =	simm.s32 $0x0;
	[sflag:s4] =	ssyncadd.s32 $0xFFFFC000;
	s15 =	sor.u32 $0x8000, s16  }
.LBB1_3:
0x27: {  	s18 =	sshll.u32 s17, $0x8  }
0x28: {  	s18 =	sand.u32 $0x3FFFFF00, s18  }
0x29: {  	s19 =	sshll.u32 s17, $0x7;
	s18 =	sadd.s32 s18, s16  }
0x2a: {  	s19 =	sand.u32 $0x3FFFFF80, s19;
	v0 =	vmov s18  }
0x2b: {  	s19 =	sadd.s32 s19, s15  }
0x2c: {  	p0 =	por $0x1, $0x1;
	v1 =	vmov s19;
	s18 =	simm.s32 $0x0  }
.LBB1_4:
0x2d: {  	s19 =	sshll.u32 s18, $0x7  }
0x2e: {  	s19 =	sand.u32 $0x3FFFFF80, s19  }
0x2f: {  	v2 =	vld.idx.msk [tilespmem:v0+s19+$0x0 ss:$0x1], $0xffff  }
0x30: {  	v3 =	vld.idx.msk [tilespmem:v0+s19+$0x10 ss:$0x1], $0xffff  }
0x31: {  	v4 =	vld.idx.msk [tilespmem:v0+s19+$0x20 ss:$0x1], $0xffff  }
0x32: {  	s31 =	sshll.u32 s18, $0xD;
	v5 =	vld.idx.msk [tilespmem:v0+s19+$0x30 ss:$0x1], $0xffff  }
0x33: {  	s18 =	sand.u32 $0x3FFFE000, s31;
	v6 =	vld.idx.msk [tilespmem:v0+s19+$0x40 ss:$0x1], $0xffff  }
0x34: {  	v63 =	vld.idx.msk [tilespmem:v0+s19+$0x70 ss:$0x1], $0xffff;
	[tilespmem:v1+s18+$0x0 ss:$0x1] =	vst.idx.msk $0xffff, v2  }
0x35: {  	v2 =	vld.idx.msk [tilespmem:v0+s19+$0x50 ss:$0x1], $0xffff;
	[tilespmem:v1+s18+$0x10 ss:$0x1] =	vst.idx.msk $0xffff, v3  }
0x36: {  	p1 =	por p0, p0;
	v3 =	vld.idx.msk [tilespmem:v0+s19+$0x60 ss:$0x1], $0xffff;
	[tilespmem:v1+s18+$0x20 ss:$0x1] =	vst.idx.msk $0xffff, v4  }
.Ltmp3:
0x37: {  	[tilespmem:v1+s18+$0x30 ss:$0x1] =	vst.idx.msk $0xffff, v5;
	(pc) =	sbr.rel @p1 .LBB1_4-.Ltmp3, $4  }
0x38: {  	[tilespmem:v1+s18+$0x40 ss:$0x1] =	vst.idx.msk $0xffff, v6  }
0x39: {  	[tilespmem:v1+s18+$0x70 ss:$0x1] =	vst.idx.msk $0xffff, v63  }
0x3a: {  	[tilespmem:v1+s18+$0x50 ss:$0x1] =	vst.idx.msk $0xffff, v2  }
0x3b: {  	p0 =	por $0x0, $0x0;
	[tilespmem:v1+s18+$0x60 ss:$0x1] =	vst.idx.msk $0xffff, v3;
	s18 =	simm.s32 $0x1  }
0x3c: {  	s17 =	sadd.s32 $0x1, s17  }
0x3d: {  	p0 =	sne.s32 s17, $0x40  }
.Ltmp4:
0x3e: {  	_ = 	snop;
	(pc) =	sbr.rel @p0 .LBB1_3-.Ltmp4, $1  }
0x3f: {  	_ =	sdelay $0x3  }
.Ltmp5:
0x40: {  	s14 =	sshll.u32 s14, $0x4;
	(pc) =	sbr.rel .LBB1_7-.Ltmp5, $4  }
0x41: {  	s14 =	sand.u32 $0xFFF0, s14  }
0x42: {  	s13 =	sshll.u32 s13, $0x10;
	s14 =	sadd.s32 s3, s14  }
0x43: {  	s13 =	sadd.s32 s13, s14  }
0x44: {  	[hbm4b:s13+s8] =	stream.strided.scatter [tilespmem:s15], [sflag:$0x2], $0x4000, s9, s8, $0x38;
	[tilespmem:$0x10000] =	vst v63  }
.LBB1_8:
0x45: {  	_ =	sfence.sel $0x180000  }
0x46: {  	s2 =	simm.s32 $0x1;
	[bflag:$0x0] =	sbarrier.arrive $0xFFFF  }
0x47: {  	s31 =	simm.s32 $0x2;
	[sflag:s2] =	ssyncpa.u1 $0x1  }
0x48: {  	[sflag:s31] =	ssyncpa.u1 $0x1  }
0x49: {  	p0 =	sne.s32 s0, $0x0;
	_ =	strace $0x9000004A  }
0x4a: {  	s0 =	sadd.s32 @!p0 $0x100000, s1;
	[bflag:$0x2] =	sbarrier.arrive $0xFFFF  }
0x4b: {  	[sflag:s0] =	ssyncadd.tile.s32 @!p0 $0x1;
	_ =	shalt  }
.Lfunc_end1:
_tile_overlayer_lowered:
.L_overlay_start_2:
0x4c: {  	(tag) =	ssettag $0x2  }
0x4d: {  	s0 =	rddreg [dreg:$0x0];
	s2 =	stileid.u32  }
0x4e: {  	s1 =	rddreg [dreg:$0x1];
	p0 =	sne.s32 s2, $0x0  }
0x4f: {  	s3 =	rddreg [dreg:$0x2];
	[bflag:$0x3] =	sbarrier.arrive $0xFFFF;
	s2 =	simm.s32 @!p0 $0x1C01  }
0x50: {  	[timem:s3], [sflag:s2] =	dma.local @!p0 [hbm:s0], s1  }
0x51: {  	s0 =	simm.s32 @!p0 $0x1  }
0x52: {  	_ =	swait.ge @!p0 [sflag:s0], s1  }
0x53: {  	s1 =	ssub.s32 @!p0 $0x0, s1;
	[sflag:s0] =	ssyncset.done @!p0 $0x0  }
0x54: {  	[sflag:s0] =	ssyncadd.s32 @!p0 s1  }
0x55: {  	[bflag:$0x3] =	sbarrier.arrive $0xFFFF  }
0x56: {  	_ =	shalt  }

</sc_bundles>
